<compile_context>
chip_gen: v7x
topology: tpu7x:2x2x1
jax: 0.10.2.dev20260603
libtpu: 0.0.44.dev20260713+nightly
codegen_flags: <defaults>
</compile_context>

<pallas_src>
import functools
import math

import jax
import jax.numpy as jnp
from jax import lax
from jax.experimental import pallas as pl
from jax.experimental.pallas import tpu as pltpu
from jax.experimental.pallas import tpu_sc as plsc

D_MODEL = 128
SCALE = math.sqrt(float(D_MODEL))

NUM_CORES = 2
NUM_SUBCORES = 16
NW = NUM_CORES * NUM_SUBCORES
CHUNK = 128
NBUF = 5
AHEAD = 3
LANES = 16


def _body(nchunks, idx_hbm, table_hbm, out_hbm, idx_v, *bufs):
    rows = bufs[:NBUF]
    gsem = bufs[NBUF:2 * NBUF]
    ssem = bufs[2 * NBUF:]

    wid = lax.axis_index("s") * NUM_CORES + lax.axis_index("c")
    base = wid * (nchunks * CHUNK)

    pltpu.sync_copy(idx_hbm.at[wid], idx_v)

    def gather_start(j, b):
        pltpu.make_async_copy(table_hbm.at[idx_v.at[j]], rows[b], gsem[b]).start()

    def gather_wait(b):
        pltpu.make_async_copy(table_hbm.at[idx_v.at[0]], rows[b], gsem[b]).wait()

    def scatter_start(j, b):
        dst = out_hbm.at[pl.ds(base + j * CHUNK, CHUNK)]
        pltpu.make_async_copy(rows[b], dst, ssem[b]).start()

    def scatter_wait(b):
        dst = out_hbm.at[pl.ds(base, CHUNK)]
        pltpu.make_async_copy(rows[b], dst, ssem[b]).wait()

    def scale_buf(b):
        r = rows[b]

        def srow(i, carry):
            for c in range(D_MODEL // LANES):
                sl = (i, pl.ds(c * LANES, LANES))
                r[sl] = r[sl] * SCALE
            return carry

        lax.fori_loop(0, CHUNK, srow, 0)

    for j in range(AHEAD):
        gather_start(j, j)

    def outer(g, carry):
        for b in range(NBUF):
            j = g * NBUF + b
            gather_wait(b)
            scale_buf(b)
            scatter_start(j, b)
            jn = j + AHEAD
            bn = (b + AHEAD) % NBUF

            @pl.when(jnp.logical_and(jn < nchunks, jn >= NBUF))
            def _():
                scatter_wait(bn)

            @pl.when(jn < nchunks)
            def _():
                gather_start(jn, bn)
        return carry

    lax.fori_loop(0, nchunks // NBUF, outer, 0)

    for b in range(NBUF):
        scatter_wait(b)


def _make_call(nchunks):
    mesh = plsc.VectorSubcoreMesh(core_axis_name="c", subcore_axis_name="s")
    ntok = NW * nchunks * CHUNK
    return functools.partial(
        pl.kernel,
        mesh=mesh,
        out_type=jax.ShapeDtypeStruct((ntok, D_MODEL), jnp.float32),
        scratch_types=(
            [pltpu.VMEM((nchunks, CHUNK), jnp.int32)]
            + [pltpu.VMEM((CHUNK, D_MODEL), jnp.float32) for _ in range(NBUF)]
            + [pltpu.SemaphoreType.DMA for _ in range(2 * NBUF)]
        ),
    )(functools.partial(_body, nchunks))


def kernel(x, table):
    ntok = x.size
    assert ntok % (NW * CHUNK) == 0
    nchunks = ntok // (NW * CHUNK)
    idx = x.reshape(NW, nchunks, CHUNK).astype(jnp.int32)
    out = _make_call(nchunks)(idx, table)
    return out.reshape(x.shape + (D_MODEL,))

# --- scband reference (transcript-rebuilt; emitter-appended) ---
"""Pipeline reference for scband-token-embedding-3143916060746 (READ-ONLY COPY).

The authoritative reference and input builder live on the scoring server;
editing this copy changes nothing except your own understanding.
"""

import jax, jax.numpy as jnp
import numpy as np
import math

VOCAB_SIZE = 100000
D_MODEL = 128
PADDING_IDX = 0

def setup_inputs(seed: int = 0) -> dict:
    key = jax.random.key(seed)
    k1, k2 = jax.random.split(key)
    x = jax.random.randint(k1, (4096, 200), 0, VOCAB_SIZE, dtype=jnp.int64 if jax.config.jax_enable_x64 else jnp.int32)
    table = jax.random.normal(k2, (VOCAB_SIZE, D_MODEL), dtype=jnp.float32)
    # nn.Embedding with padding_idx zeroes that row at init
    table = table.at[PADDING_IDX].set(0.0)
    return {"x": x, "table": table}

def reference(x, table):
    # Faithful to TokenEmbedding.forward: embedding lookup scaled by sqrt(d_model).
    # padding_idx row is forced to zero (as nn.Embedding maintains).
    tbl = table.at[PADDING_IDX].set(0.0)
    embeddings = jnp.take(tbl, x, axis=0) * math.sqrt(D_MODEL)
    return embeddings

if __name__ == "__main__":
    import jax
    _d = setup_inputs()
    print(jax.jit(kernel)(*tuple(_d.values())))

</pallas_src>

<mosaic_0001>
#map = affine_map<(d0, d1) -> (0, 0, 0)>
#map1 = affine_map<(d0, d1) -> (0, 0)>
module attributes {stable_mosaic.version = 14 : i64} {
  func.func @_body(%arg0: i32, %arg1: i32, %arg2: memref<32x200x128xi32, #tpu.memory_space<hbm>>, %arg3: memref<100000x128xf32, #tpu.memory_space<hbm>>, %arg4: memref<819200x128xf32, #tpu.memory_space<hbm>>, %arg5: memref<200x128xi32, #tpu.memory_space<vmem>>, %arg6: memref<128x128xf32, #tpu.memory_space<vmem>>, %arg7: memref<128x128xf32, #tpu.memory_space<vmem>>, %arg8: memref<128x128xf32, #tpu.memory_space<vmem>>, %arg9: memref<128x128xf32, #tpu.memory_space<vmem>>, %arg10: memref<128x128xf32, #tpu.memory_space<vmem>>, %arg11: memref<!tpu.dma_semaphore, #tpu.memory_space<semaphore_mem>>, %arg12: memref<!tpu.dma_semaphore, #tpu.memory_space<semaphore_mem>>, %arg13: memref<!tpu.dma_semaphore, #tpu.memory_space<semaphore_mem>>, %arg14: memref<!tpu.dma_semaphore, #tpu.memory_space<semaphore_mem>>, %arg15: memref<!tpu.dma_semaphore, #tpu.memory_space<semaphore_mem>>, %arg16: memref<!tpu.dma_semaphore, #tpu.memory_space<semaphore_mem>>, %arg17: memref<!tpu.dma_semaphore, #tpu.memory_space<semaphore_mem>>, %arg18: memref<!tpu.dma_semaphore, #tpu.memory_space<semaphore_mem>>, %arg19: memref<!tpu.dma_semaphore, #tpu.memory_space<semaphore_mem>>, %arg20: memref<!tpu.dma_semaphore, #tpu.memory_space<semaphore_mem>>) attributes {dimension_semantics = [#tpu.dimension_semantics<core_parallel>, #tpu.dimension_semantics<subcore_parallel>], iteration_bounds = array<i64: 2, 16>, scalar_prefetch = 0 : i64, scratch_operands = 16 : i64, tpu.core_type = #tpu.core_type<sc_vector_subcore>, window_params = [{transform_indices = #map}, {transform_indices = #map1}, {transform_indices = #map1}]} {
    %mul3A = arith.constant 2 : i32
    %mul3A_0 = arith.muli %arg1, %mul3A : i32
    %add3A = arith.addi %mul3A_0, %arg0 : i32
    %mul3A_1 = arith.constant 25600 : i32
    %mul3A_2 = arith.muli %add3A, %mul3A_1 : i32
    "tpu.region"() ({
      %run_scoped3A = tpu.sem_alloc : memref<!tpu.dma_semaphore, #tpu.memory_space<semaphore_mem>>
      %dma_start3A_47 = arith.constant 0 : i32
      %dma_start3A_48 = arith.constant 0 : i32
      %dma_start3A_49 = tpu.memref_slice %arg2[%add3A, %dma_start3A_47, %dma_start3A_48] : memref<32x200x128xi32, #tpu.memory_space<hbm>> -> memref<1x200x128xi32, #tpu.memory_space<hbm>>
      %dma_start3A_50 = tpu.memref_squeeze %dma_start3A_49 : memref<1x200x128xi32, #tpu.memory_space<hbm>> -> memref<200x128xi32, #tpu.memory_space<hbm>>
      %dma_start3A_51 = arith.constant 0 : i32
      %dma_start3A_52 = arith.constant 0 : i32
      %dma_start3A_53 = tpu.memref_slice %arg2[%add3A, %dma_start3A_51, %dma_start3A_52] : memref<32x200x128xi32, #tpu.memory_space<hbm>> -> memref<1x200x128xi32, #tpu.memory_space<hbm>>
      %dma_start3A_54 = tpu.memref_squeeze %dma_start3A_53 : memref<1x200x128xi32, #tpu.memory_space<hbm>> -> memref<200x128xi32, #tpu.memory_space<hbm>>
      tpu.enqueue_dma source(%dma_start3A_54 : memref<200x128xi32, #tpu.memory_space<hbm>>) target(%arg5 : memref<200x128xi32, #tpu.memory_space<vmem>>) target_semaphore(%run_scoped3A : memref<!tpu.dma_semaphore, #tpu.memory_space<semaphore_mem>>)
      %dma_wait3A_55 = arith.constant 0 : i32
      %dma_wait3A_56 = arith.constant 0 : i32
      %dma_wait3A_57 = tpu.memref_slice %arg2[%add3A, %dma_wait3A_55, %dma_wait3A_56] : memref<32x200x128xi32, #tpu.memory_space<hbm>> -> memref<1x200x128xi32, #tpu.memory_space<hbm>>
      %dma_wait3A_58 = tpu.memref_squeeze %dma_wait3A_57 : memref<1x200x128xi32, #tpu.memory_space<hbm>> -> memref<200x128xi32, #tpu.memory_space<hbm>>
      %dma_wait3A_59 = arith.constant 0 : i32
      %dma_wait3A_60 = arith.constant 0 : i32
      %dma_wait3A_61 = tpu.memref_slice %arg2[%add3A, %dma_wait3A_59, %dma_wait3A_60] : memref<32x200x128xi32, #tpu.memory_space<hbm>> -> memref<1x200x128xi32, #tpu.memory_space<hbm>>
      %dma_wait3A_62 = tpu.memref_squeeze %dma_wait3A_61 : memref<1x200x128xi32, #tpu.memory_space<hbm>> -> memref<200x128xi32, #tpu.memory_space<hbm>>
      tpu.wait_dma2 semaphore(%run_scoped3A : memref<!tpu.dma_semaphore, #tpu.memory_space<semaphore_mem>>) src(%dma_wait3A_62 : memref<200x128xi32, #tpu.memory_space<hbm>>) dst(%arg5 : memref<200x128xi32, #tpu.memory_space<vmem>>)
      tpu.yield
    }) : () -> ()
    %dma_start3A = arith.constant 0 : i32
    %dma_start3A_3 = arith.constant 0 : i32
    %dma_start3A_4 = tpu.memref_slice %arg5[%dma_start3A, %dma_start3A_3] : memref<200x128xi32, #tpu.memory_space<vmem>> -> memref<1x128xi32, #tpu.memory_space<vmem>>
    %dma_start3A_5 = tpu.memref_squeeze %dma_start3A_4 : memref<1x128xi32, #tpu.memory_space<vmem>> -> memref<128xi32, #tpu.memory_space<vmem>>
    %dma_start3A_6 = arith.constant 0 : i32
    %dma_start3A_7 = arith.constant 0 : i32
    %dma_start3A_8 = tpu.memref_slice %arg3[%dma_start3A_6, %dma_start3A_7] : memref<100000x128xf32, #tpu.memory_space<hbm>> -> memref<100000x128xf32, #tpu.memory_space<hbm>>
    tpu.enqueue_indirect_dma source(%dma_start3A_8 : memref<100000x128xf32, #tpu.memory_space<hbm>>) target(%arg6 : memref<128x128xf32, #tpu.memory_space<vmem>>) offsets(%dma_start3A_5 : memref<128xi32, #tpu.memory_space<vmem>>) semaphore(%arg11 : memref<!tpu.dma_semaphore, #tpu.memory_space<semaphore_mem>>)
    %dma_start3A_9 = arith.constant 1 : i32
    %dma_start3A_10 = arith.constant 0 : i32
    %dma_start3A_11 = tpu.memref_slice %arg5[%dma_start3A_9, %dma_start3A_10] : memref<200x128xi32, #tpu.memory_space<vmem>> -> memref<1x128xi32, #tpu.memory_space<vmem>>
    %dma_start3A_12 = tpu.memref_squeeze %dma_start3A_11 : memref<1x128xi32, #tpu.memory_space<vmem>> -> memref<128xi32, #tpu.memory_space<vmem>>
    %dma_start3A_13 = arith.constant 0 : i32
    %dma_start3A_14 = arith.constant 0 : i32
    %dma_start3A_15 = tpu.memref_slice %arg3[%dma_start3A_13, %dma_start3A_14] : memref<100000x128xf32, #tpu.memory_space<hbm>> -> memref<100000x128xf32, #tpu.memory_space<hbm>>
    tpu.enqueue_indirect_dma source(%dma_start3A_15 : memref<100000x128xf32, #tpu.memory_space<hbm>>) target(%arg7 : memref<128x128xf32, #tpu.memory_space<vmem>>) offsets(%dma_start3A_12 : memref<128xi32, #tpu.memory_space<vmem>>) semaphore(%arg12 : memref<!tpu.dma_semaphore, #tpu.memory_space<semaphore_mem>>)
    %dma_start3A_16 = arith.constant 2 : i32
    %dma_start3A_17 = arith.constant 0 : i32
    %dma_start3A_18 = tpu.memref_slice %arg5[%dma_start3A_16, %dma_start3A_17] : memref<200x128xi32, #tpu.memory_space<vmem>> -> memref<1x128xi32, #tpu.memory_space<vmem>>
    %dma_start3A_19 = tpu.memref_squeeze %dma_start3A_18 : memref<1x128xi32, #tpu.memory_space<vmem>> -> memref<128xi32, #tpu.memory_space<vmem>>
    %dma_start3A_20 = arith.constant 0 : i32
    %dma_start3A_21 = arith.constant 0 : i32
    %dma_start3A_22 = tpu.memref_slice %arg3[%dma_start3A_20, %dma_start3A_21] : memref<100000x128xf32, #tpu.memory_space<hbm>> -> memref<100000x128xf32, #tpu.memory_space<hbm>>
    tpu.enqueue_indirect_dma source(%dma_start3A_22 : memref<100000x128xf32, #tpu.memory_space<hbm>>) target(%arg8 : memref<128x128xf32, #tpu.memory_space<vmem>>) offsets(%dma_start3A_19 : memref<128xi32, #tpu.memory_space<vmem>>) semaphore(%arg13 : memref<!tpu.dma_semaphore, #tpu.memory_space<semaphore_mem>>)
    %scan3A = arith.constant 0 : i32
    %scan3A_23 = arith.constant 0 : i32
    %scan3A_24 = arith.constant 40 : i32
    %scan3A_25 = arith.addi %scan3A_23, %scan3A_24 : i32
    %scan3A_26 = arith.constant 1 : i32
    scf.for %scan3A_47 = %scan3A_23 to %scan3A_25 step %scan3A_26  : i32 {
      %mul3A_48 = arith.constant 5 : i32
      %mul3A_49 = arith.muli %scan3A_47, %mul3A_48 : i32
      %add3A_50 = arith.constant 0 : i32
      %add3A_51 = arith.addi %mul3A_49, %add3A_50 : i32
      %dma_wait3A_52 = arith.constant 0 : i32
      %dma_wait3A_53 = arith.constant 0 : i32
      %dma_wait3A_54 = tpu.memref_slice %arg5[%dma_wait3A_52, %dma_wait3A_53] : memref<200x128xi32, #tpu.memory_space<vmem>> -> memref<1x128xi32, #tpu.memory_space<vmem>>
      %dma_wait3A_55 = tpu.memref_squeeze %dma_wait3A_54 : memref<1x128xi32, #tpu.memory_space<vmem>> -> memref<128xi32, #tpu.memory_space<vmem>>
      %dma_wait3A_56 = arith.constant 0 : i32
      %dma_wait3A_57 = arith.constant 0 : i32
      %dma_wait3A_58 = tpu.memref_slice %arg3[%dma_wait3A_56, %dma_wait3A_57] : memref<100000x128xf32, #tpu.memory_space<hbm>> -> memref<100000x128xf32, #tpu.memory_space<hbm>>
      tpu.wait_indirect_dma semaphore(%arg11 : memref<!tpu.dma_semaphore, #tpu.memory_space<semaphore_mem>>) src(%dma_wait3A_58 : memref<100000x128xf32, #tpu.memory_space<hbm>>) dst(%arg6 : memref<128x128xf32, #tpu.memory_space<vmem>>)
      %scan3A_59 = arith.constant 0 : i32
      %scan3A_60 = arith.constant 0 : i32
      %scan3A_61 = arith.constant 128 : i32
      %scan3A_62 = arith.addi %scan3A_60, %scan3A_61 : i32
      %scan3A_63 = arith.constant 1 : i32
      scf.for %scan3A_238 = %scan3A_60 to %scan3A_62 step %scan3A_63  : i32 {
        %get3A = arith.index_cast %scan3A_238 : i32 to index
        %get3A_239 = arith.constant 0 : index
        %get3A_240 = tpu.vector_load %arg6[%get3A, %get3A_239] {strides = array<i32>} : memref<128x128xf32, #tpu.memory_space<vmem>>, vector<1x16xf32>,
        %get3A_241 = vector.shape_cast %get3A_240 : vector<1x16xf32> to vector<16xf32>
        %mul3A_242 = arith.constant 11.3137083 : f32
        %mul3A_243 = vector.broadcast %mul3A_242 : f32 to vector<16xf32>
        %mul3A_244 = arith.mulf %get3A_241, %mul3A_243 : vector<16xf32>
        %swap3A = arith.index_cast %scan3A_238 : i32 to index
        %swap3A_245 = arith.constant 0 : index
        %swap3A_246 = tpu.vector_load %arg6[%swap3A, %swap3A_245] {strides = array<i32>} : memref<128x128xf32, #tpu.memory_space<vmem>>, vector<1x16xf32>,
        %swap3A_247 = vector.shape_cast %swap3A_246 : vector<1x16xf32> to vector<16xf32>
        %swap3A_248 = vector.shape_cast %mul3A_244 : vector<16xf32> to vector<1x16xf32>
        tpu.vector_store %arg6[%swap3A, %swap3A_245], %swap3A_248 {strides = array<i32>} : memref<128x128xf32, #tpu.memory_space<vmem>>, vector<1x16xf32>,
        %get3A_249 = arith.index_cast %scan3A_238 : i32 to index
        %get3A_250 = arith.constant 16 : index
        %get3A_251 = tpu.vector_load %arg6[%get3A_249, %get3A_250] {strides = array<i32>} : memref<128x128xf32, #tpu.memory_space<vmem>>, vector<1x16xf32>,
        %get3A_252 = vector.shape_cast %get3A_251 : vector<1x16xf32> to vector<16xf32>
        %mul3A_253 = arith.constant 11.3137083 : f32
        %mul3A_254 = vector.broadcast %mul3A_253 : f32 to vector<16xf32>
        %mul3A_255 = arith.mulf %get3A_252, %mul3A_254 : vector<16xf32>
        %swap3A_256 = arith.index_cast %scan3A_238 : i32 to index
        %swap3A_257 = arith.constant 16 : index
        %swap3A_258 = tpu.vector_load %arg6[%swap3A_256, %swap3A_257] {strides = array<i32>} : memref<128x128xf32, #tpu.memory_space<vmem>>, vector<1x16xf32>,
        %swap3A_259 = vector.shape_cast %swap3A_258 : vector<1x16xf32> to vector<16xf32>
        %swap3A_260 = vector.shape_cast %mul3A_255 : vector<16xf32> to vector<1x16xf32>
        tpu.vector_store %arg6[%swap3A_256, %swap3A_257], %swap3A_260 {strides = array<i32>} : memref<128x128xf32, #tpu.memory_space<vmem>>, vector<1x16xf32>,
        %get3A_261 = arith.index_cast %scan3A_238 : i32 to index
        %get3A_262 = arith.constant 32 : index
        %get3A_263 = tpu.vector_load %arg6[%get3A_261, %get3A_262] {strides = array<i32>} : memref<128x128xf32, #tpu.memory_space<vmem>>, vector<1x16xf32>,
        %get3A_264 = vector.shape_cast %get3A_263 : vector<1x16xf32> to vector<16xf32>
        %mul3A_265 = arith.constant 11.3137083 : f32
        %mul3A_266 = vector.broadcast %mul3A_265 : f32 to vector<16xf32>
        %mul3A_267 = arith.mulf %get3A_264, %mul3A_266 : vector<16xf32>
        %swap3A_268 = arith.index_cast %scan3A_238 : i32 to index
        %swap3A_269 = arith.constant 32 : index
        %swap3A_270 = tpu.vector_load %arg6[%swap3A_268, %swap3A_269] {strides = array<i32>} : memref<128x128xf32, #tpu.memory_space<vmem>>, vector<1x16xf32>,
        %swap3A_271 = vector.shape_cast %swap3A_270 : vector<1x16xf32> to vector<16xf32>
        %swap3A_272 = vector.shape_cast %mul3A_267 : vector<16xf32> to vector<1x16xf32>
        tpu.vector_store %arg6[%swap3A_268, %swap3A_269], %swap3A_272 {strides = array<i32>} : memref<128x128xf32, #tpu.memory_space<vmem>>, vector<1x16xf32>,
        %get3A_273 = arith.index_cast %scan3A_238 : i32 to index
        %get3A_274 = arith.constant 48 : index
        %get3A_275 = tpu.vector_load %arg6[%get3A_273, %get3A_274] {strides = array<i32>} : memref<128x128xf32, #tpu.memory_space<vmem>>, vector<1x16xf32>,
        %get3A_276 = vector.shape_cast %get3A_275 : vector<1x16xf32> to vector<16xf32>
        %mul3A_277 = arith.constant 11.3137083 : f32
        %mul3A_278 = vector.broadcast %mul3A_277 : f32 to vector<16xf32>
        %mul3A_279 = arith.mulf %get3A_276, %mul3A_278 : vector<16xf32>
        %swap3A_280 = arith.index_cast %scan3A_238 : i32 to index
        %swap3A_281 = arith.constant 48 : index
        %swap3A_282 = tpu.vector_load %arg6[%swap3A_280, %swap3A_281] {strides = array<i32>} : memref<128x128xf32, #tpu.memory_space<vmem>>, vector<1x16xf32>,
        %swap3A_283 = vector.shape_cast %swap3A_282 : vector<1x16xf32> to vector<16xf32>
        %swap3A_284 = vector.shape_cast %mul3A_279 : vector<16xf32> to vector<1x16xf32>
        tpu.vector_store %arg6[%swap3A_280, %swap3A_281], %swap3A_284 {strides = array<i32>} : memref<128x128xf32, #tpu.memory_space<vmem>>, vector<1x16xf32>,
        %get3A_285 = arith.index_cast %scan3A_238 : i32 to index
        %get3A_286 = arith.constant 64 : index
        %get3A_287 = tpu.vector_load %arg6[%get3A_285, %get3A_286] {strides = array<i32>} : memref<128x128xf32, #tpu.memory_space<vmem>>, vector<1x16xf32>,
        %get3A_288 = vector.shape_cast %get3A_287 : vector<1x16xf32> to vector<16xf32>
        %mul3A_289 = arith.constant 11.3137083 : f32
        %mul3A_290 = vector.broadcast %mul3A_289 : f32 to vector<16xf32>
        %mul3A_291 = arith.mulf %get3A_288, %mul3A_290 : vector<16xf32>
        %swap3A_292 = arith.index_cast %scan3A_238 : i32 to index
        %swap3A_293 = arith.constant 64 : index
        %swap3A_294 = tpu.vector_load %arg6[%swap3A_292, %swap3A_293] {strides = array<i32>} : memref<128x128xf32, #tpu.memory_space<vmem>>, vector<1x16xf32>,
        %swap3A_295 = vector.shape_cast %swap3A_294 : vector<1x16xf32> to vector<16xf32>
        %swap3A_296 = vector.shape_cast %mul3A_291 : vector<16xf32> to vector<1x16xf32>
        tpu.vector_store %arg6[%swap3A_292, %swap3A_293], %swap3A_296 {strides = array<i32>} : memref<128x128xf32, #tpu.memory_space<vmem>>, vector<1x16xf32>,
        %get3A_297 = arith.index_cast %scan3A_238 : i32 to index
        %get3A_298 = arith.constant 80 : index
        %get3A_299 = tpu.vector_load %arg6[%get3A_297, %get3A_298] {strides = array<i32>} : memref<128x128xf32, #tpu.memory_space<vmem>>, vector<1x16xf32>,
        %get3A_300 = vector.shape_cast %get3A_299 : vector<1x16xf32> to vector<16xf32>
        %mul3A_301 = arith.constant 11.3137083 : f32
        %mul3A_302 = vector.broadcast %mul3A_301 : f32 to vector<16xf32>
        %mul3A_303 = arith.mulf %get3A_300, %mul3A_302 : vector<16xf32>
        %swap3A_304 = arith.index_cast %scan3A_238 : i32 to index
        %swap3A_305 = arith.constant 80 : index
        %swap3A_306 = tpu.vector_load %arg6[%swap3A_304, %swap3A_305] {strides = array<i32>} : memref<128x128xf32, #tpu.memory_space<vmem>>, vector<1x16xf32>,
        %swap3A_307 = vector.shape_cast %swap3A_306 : vector<1x16xf32> to vector<16xf32>
        %swap3A_308 = vector.shape_cast %mul3A_303 : vector<16xf32> to vector<1x16xf32>
        tpu.vector_store %arg6[%swap3A_304, %swap3A_305], %swap3A_308 {strides = array<i32>} : memref<128x128xf32, #tpu.memory_space<vmem>>, vector<1x16xf32>,
        %get3A_309 = arith.index_cast %scan3A_238 : i32 to index
        %get3A_310 = arith.constant 96 : index
        %get3A_311 = tpu.vector_load %arg6[%get3A_309, %get3A_310] {strides = array<i32>} : memref<128x128xf32, #tpu.memory_space<vmem>>, vector<1x16xf32>,
        %get3A_312 = vector.shape_cast %get3A_311 : vector<1x16xf32> to vector<16xf32>
        %mul3A_313 = arith.constant 11.3137083 : f32
        %mul3A_314 = vector.broadcast %mul3A_313 : f32 to vector<16xf32>
        %mul3A_315 = arith.mulf %get3A_312, %mul3A_314 : vector<16xf32>
        %swap3A_316 = arith.index_cast %scan3A_238 : i32 to index
        %swap3A_317 = arith.constant 96 : index
        %swap3A_318 = tpu.vector_load %arg6[%swap3A_316, %swap3A_317] {strides = array<i32>} : memref<128x128xf32, #tpu.memory_space<vmem>>, vector<1x16xf32>,
        %swap3A_319 = vector.shape_cast %swap3A_318 : vector<1x16xf32> to vector<16xf32>
        %swap3A_320 = vector.shape_cast %mul3A_315 : vector<16xf32> to vector<1x16xf32>
        tpu.vector_store %arg6[%swap3A_316, %swap3A_317], %swap3A_320 {strides = array<i32>} : memref<128x128xf32, #tpu.memory_space<vmem>>, vector<1x16xf32>,
        %get3A_321 = arith.index_cast %scan3A_238 : i32 to index
        %get3A_322 = arith.constant 112 : index
        %get3A_323 = tpu.vector_load %arg6[%get3A_321, %get3A_322] {strides = array<i32>} : memref<128x128xf32, #tpu.memory_space<vmem>>, vector<1x16xf32>,
        %get3A_324 = vector.shape_cast %get3A_323 : vector<1x16xf32> to vector<16xf32>
        %mul3A_325 = arith.constant 11.3137083 : f32
        %mul3A_326 = vector.broadcast %mul3A_325 : f32 to vector<16xf32>
        %mul3A_327 = arith.mulf %get3A_324, %mul3A_326 : vector<16xf32>
        %swap3A_328 = arith.index_cast %scan3A_238 : i32 to index
        %swap3A_329 = arith.constant 112 : index
        %swap3A_330 = tpu.vector_load %arg6[%swap3A_328, %swap3A_329] {strides = array<i32>} : memref<128x128xf32, #tpu.memory_space<vmem>>, vector<1x16xf32>,
        %swap3A_331 = vector.shape_cast %swap3A_330 : vector<1x16xf32> to vector<16xf32>
        %swap3A_332 = vector.shape_cast %mul3A_327 : vector<16xf32> to vector<1x16xf32>
        tpu.vector_store %arg6[%swap3A_328, %swap3A_329], %swap3A_332 {strides = array<i32>} : memref<128x128xf32, #tpu.memory_space<vmem>>, vector<1x16xf32>,
      }
      %scan3A_64 = arith.constant 128 : i32
      %mul3A_65 = arith.constant 128 : i32
      %mul3A_66 = arith.muli %add3A_51, %mul3A_65 : i32
      %add3A_67 = arith.addi %mul3A_2, %mul3A_66 : i32
      %dma_start3A_68 = arith.constant 0 : i32
      %dma_start3A_69 = tpu.memref_slice %arg4[%add3A_67, %dma_start3A_68] : memref<819200x128xf32, #tpu.memory_space<hbm>> -> memref<128x128xf32, #tpu.memory_space<hbm>>
      %dma_start3A_70 = arith.constant 0 : i32
      %dma_start3A_71 = tpu.memref_slice %arg4[%add3A_67, %dma_start3A_70] : memref<819200x128xf32, #tpu.memory_space<hbm>> -> memref<128x128xf32, #tpu.memory_space<hbm>>
      tpu.enqueue_dma source(%arg6 : memref<128x128xf32, #tpu.memory_space<vmem>>) target(%dma_start3A_71 : memref<128x128xf32, #tpu.memory_space<hbm>>) target_semaphore(%arg16 : memref<!tpu.dma_semaphore, #tpu.memory_space<semaphore_mem>>)
      %add3A_72 = arith.constant 3 : i32
      %add3A_73 = arith.addi %add3A_51, %add3A_72 : i32
      %lt3A = arith.constant 200 : i32
      %lt3A_74 = arith.cmpi slt, %add3A_73, %lt3A : i32
      %ge3A = arith.constant 5 : i32
      %ge3A_75 = arith.cmpi sge, %add3A_73, %ge3A : i32
      %and3A = arith.andi %lt3A_74, %ge3A_75 : i1
      %convert_element_type3A = arith.extui %and3A : i1 to i32
      %cond3A = arith.constant 0 : i32
      %cond3A_76 = arith.cmpi ne, %convert_element_type3A, %cond3A : i32
      scf.if %cond3A_76 {
        %dma_wait3A_238 = arith.constant 0 : i32
        %dma_wait3A_239 = tpu.memref_slice %arg4[%mul3A_2, %dma_wait3A_238] : memref<819200x128xf32, #tpu.memory_space<hbm>> -> memref<128x128xf32, #tpu.memory_space<hbm>>
        %dma_wait3A_240 = arith.constant 0 : i32
        %dma_wait3A_241 = tpu.memref_slice %arg4[%mul3A_2, %dma_wait3A_240] : memref<819200x128xf32, #tpu.memory_space<hbm>> -> memref<128x128xf32, #tpu.memory_space<hbm>>
        tpu.wait_dma2 semaphore(%arg19 : memref<!tpu.dma_semaphore, #tpu.memory_space<semaphore_mem>>) src(%arg9 : memref<128x128xf32, #tpu.memory_space<vmem>>) dst(%dma_wait3A_241 : memref<128x128xf32, #tpu.memory_space<hbm>>)
      } else {
      }
      %lt3A_77 = arith.constant 200 : i32
      %lt3A_78 = arith.cmpi slt, %add3A_73, %lt3A_77 : i32
      %convert_element_type3A_79 = arith.extui %lt3A_78 : i1 to i32
      %cond3A_80 = arith.constant 0 : i32
      %cond3A_81 = arith.cmpi ne, %convert_element_type3A_79, %cond3A_80 : i32
      scf.if %cond3A_81 {
        %dma_start3A_238 = arith.constant 0 : i32
        %dma_start3A_239 = tpu.memref_slice %arg5[%add3A_73, %dma_start3A_238] : memref<200x128xi32, #tpu.memory_space<vmem>> -> memref<1x128xi32, #tpu.memory_space<vmem>>
        %dma_start3A_240 = tpu.memref_squeeze %dma_start3A_239 : memref<1x128xi32, #tpu.memory_space<vmem>> -> memref<128xi32, #tpu.memory_space<vmem>>
        %dma_start3A_241 = arith.constant 0 : i32
        %dma_start3A_242 = arith.constant 0 : i32
        %dma_start3A_243 = tpu.memref_slice %arg3[%dma_start3A_241, %dma_start3A_242] : memref<100000x128xf32, #tpu.memory_space<hbm>> -> memref<100000x128xf32, #tpu.memory_space<hbm>>
        tpu.enqueue_indirect_dma source(%dma_start3A_243 : memref<100000x128xf32, #tpu.memory_space<hbm>>) target(%arg9 : memref<128x128xf32, #tpu.memory_space<vmem>>) offsets(%dma_start3A_240 : memref<128xi32, #tpu.memory_space<vmem>>) semaphore(%arg14 : memref<!tpu.dma_semaphore, #tpu.memory_space<semaphore_mem>>)
      } else {
      }
      %mul3A_82 = arith.constant 5 : i32
      %mul3A_83 = arith.muli %scan3A_47, %mul3A_82 : i32
      %add3A_84 = arith.constant 1 : i32
      %add3A_85 = arith.addi %mul3A_83, %add3A_84 : i32
      %dma_wait3A_86 = arith.constant 0 : i32
      %dma_wait3A_87 = arith.constant 0 : i32
      %dma_wait3A_88 = tpu.memref_slice %arg5[%dma_wait3A_86, %dma_wait3A_87] : memref<200x128xi32, #tpu.memory_space<vmem>> -> memref<1x128xi32, #tpu.memory_space<vmem>>
      %dma_wait3A_89 = tpu.memref_squeeze %dma_wait3A_88 : memref<1x128xi32, #tpu.memory_space<vmem>> -> memref<128xi32, #tpu.memory_space<vmem>>
      %dma_wait3A_90 = arith.constant 0 : i32
      %dma_wait3A_91 = arith.constant 0 : i32
      %dma_wait3A_92 = tpu.memref_slice %arg3[%dma_wait3A_90, %dma_wait3A_91] : memref<100000x128xf32, #tpu.memory_space<hbm>> -> memref<100000x128xf32, #tpu.memory_space<hbm>>
      tpu.wait_indirect_dma semaphore(%arg12 : memref<!tpu.dma_semaphore, #tpu.memory_space<semaphore_mem>>) src(%dma_wait3A_92 : memref<100000x128xf32, #tpu.memory_space<hbm>>) dst(%arg7 : memref<128x128xf32, #tpu.memory_space<vmem>>)
      %scan3A_93 = arith.constant 0 : i32
      %scan3A_94 = arith.constant 0 : i32
      %scan3A_95 = arith.constant 128 : i32
      %scan3A_96 = arith.addi %scan3A_94, %scan3A_95 : i32
      %scan3A_97 = arith.constant 1 : i32
      scf.for %scan3A_238 = %scan3A_94 to %scan3A_96 step %scan3A_97  : i32 {
        %get3A = arith.index_cast %scan3A_238 : i32 to index
        %get3A_239 = arith.constant 0 : index
        %get3A_240 = tpu.vector_load %arg7[%get3A, %get3A_239] {strides = array<i32>} : memref<128x128xf32, #tpu.memory_space<vmem>>, vector<1x16xf32>,
        %get3A_241 = vector.shape_cast %get3A_240 : vector<1x16xf32> to vector<16xf32>
        %mul3A_242 = arith.constant 11.3137083 : f32
        %mul3A_243 = vector.broadcast %mul3A_242 : f32 to vector<16xf32>
        %mul3A_244 = arith.mulf %get3A_241, %mul3A_243 : vector<16xf32>
        %swap3A = arith.index_cast %scan3A_238 : i32 to index
        %swap3A_245 = arith.constant 0 : index
        %swap3A_246 = tpu.vector_load %arg7[%swap3A, %swap3A_245] {strides = array<i32>} : memref<128x128xf32, #tpu.memory_space<vmem>>, vector<1x16xf32>,
        %swap3A_247 = vector.shape_cast %swap3A_246 : vector<1x16xf32> to vector<16xf32>
        %swap3A_248 = vector.shape_cast %mul3A_244 : vector<16xf32> to vector<1x16xf32>
        tpu.vector_store %arg7[%swap3A, %swap3A_245], %swap3A_248 {strides = array<i32>} : memref<128x128xf32, #tpu.memory_space<vmem>>, vector<1x16xf32>,
        %get3A_249 = arith.index_cast %scan3A_238 : i32 to index
        %get3A_250 = arith.constant 16 : index
        %get3A_251 = tpu.vector_load %arg7[%get3A_249, %get3A_250] {strides = array<i32>} : memref<128x128xf32, #tpu.memory_space<vmem>>, vector<1x16xf32>,
        %get3A_252 = vector.shape_cast %get3A_251 : vector<1x16xf32> to vector<16xf32>
        %mul3A_253 = arith.constant 11.3137083 : f32
        %mul3A_254 = vector.broadcast %mul3A_253 : f32 to vector<16xf32>
        %mul3A_255 = arith.mulf %get3A_252, %mul3A_254 : vector<16xf32>
        %swap3A_256 = arith.index_cast %scan3A_238 : i32 to index
        %swap3A_257 = arith.constant 16 : index
        %swap3A_258 = tpu.vector_load %arg7[%swap3A_256, %swap3A_257] {strides = array<i32>} : memref<128x128xf32, #tpu.memory_space<vmem>>, vector<1x16xf32>,
        %swap3A_259 = vector.shape_cast %swap3A_258 : vector<1x16xf32> to vector<16xf32>
        %swap3A_260 = vector.shape_cast %mul3A_255 : vector<16xf32> to vector<1x16xf32>
        tpu.vector_store %arg7[%swap3A_256, %swap3A_257], %swap3A_260 {strides = array<i32>} : memref<128x128xf32, #tpu.memory_space<vmem>>, vector<1x16xf32>,
        %get3A_261 = arith.index_cast %scan3A_238 : i32 to index
        %get3A_262 = arith.constant 32 : index
        %get3A_263 = tpu.vector_load %arg7[%get3A_261, %get3A_262] {strides = array<i32>} : memref<128x128xf32, #tpu.memory_space<vmem>>, vector<1x16xf32>,
        %get3A_264 = vector.shape_cast %get3A_263 : vector<1x16xf32> to vector<16xf32>
        %mul3A_265 = arith.constant 11.3137083 : f32
        %mul3A_266 = vector.broadcast %mul3A_265 : f32 to vector<16xf32>
        %mul3A_267 = arith.mulf %get3A_264, %mul3A_266 : vector<16xf32>
        %swap3A_268 = arith.index_cast %scan3A_238 : i32 to index
        %swap3A_269 = arith.constant 32 : index
        %swap3A_270 = tpu.vector_load %arg7[%swap3A_268, %swap3A_269] {strides = array<i32>} : memref<128x128xf32, #tpu.memory_space<vmem>>, vector<1x16xf32>,
        %swap3A_271 = vector.shape_cast %swap3A_270 : vector<1x16xf32> to vector<16xf32>
        %swap3A_272 = vector.shape_cast %mul3A_267 : vector<16xf32> to vector<1x16xf32>
        tpu.vector_store %arg7[%swap3A_268, %swap3A_269], %swap3A_272 {strides = array<i32>} : memref<128x128xf32, #tpu.memory_space<vmem>>, vector<1x16xf32>,
        %get3A_273 = arith.index_cast %scan3A_238 : i32 to index
        %get3A_274 = arith.constant 48 : index
        %get3A_275 = tpu.vector_load %arg7[%get3A_273, %get3A_274] {strides = array<i32>} : memref<128x128xf32, #tpu.memory_space<vmem>>, vector<1x16xf32>,
        %get3A_276 = vector.shape_cast %get3A_275 : vector<1x16xf32> to vector<16xf32>
        %mul3A_277 = arith.constant 11.3137083 : f32
        %mul3A_278 = vector.broadcast %mul3A_277 : f32 to vector<16xf32>
        %mul3A_279 = arith.mulf %get3A_276, %mul3A_278 : vector<16xf32>
        %swap3A_280 = arith.index_cast %scan3A_238 : i32 to index
        %swap3A_281 = arith.constant 48 : index
        %swap3A_282 = tpu.vector_load %arg7[%swap3A_280, %swap3A_281] {strides = array<i32>} : memref<128x128xf32, #tpu.memory_space<vmem>>, vector<1x16xf32>,
        %swap3A_283 = vector.shape_cast %swap3A_282 : vector<1x16xf32> to vector<16xf32>
        %swap3A_284 = vector.shape_cast %mul3A_279 : vector<16xf32> to vector<1x16xf32>
        tpu.vector_store %arg7[%swap3A_280, %swap3A_281], %swap3A_284 {strides = array<i32>} : memref<128x128xf32, #tpu.memory_space<vmem>>, vector<1x16xf32>,
        %get3A_285 = arith.index_cast %scan3A_238 : i32 to index
        %get3A_286 = arith.constant 64 : index
        %get3A_287 = tpu.vector_load %arg7[%get3A_285, %get3A_286] {strides = array<i32>} : memref<128x128xf32, #tpu.memory_space<vmem>>, vector<1x16xf32>,
        %get3A_288 = vector.shape_cast %get3A_287 : vector<1x16xf32> to vector<16xf32>
        %mul3A_289 = arith.constant 11.3137083 : f32
        %mul3A_290 = vector.broadcast %mul3A_289 : f32 to vector<16xf32>
        %mul3A_291 = arith.mulf %get3A_288, %mul3A_290 : vector<16xf32>
        %swap3A_292 = arith.index_cast %scan3A_238 : i32 to index
        %swap3A_293 = arith.constant 64 : index
        %swap3A_294 = tpu.vector_load %arg7[%swap3A_292, %swap3A_293] {strides = array<i32>} : memref<128x128xf32, #tpu.memory_space<vmem>>, vector<1x16xf32>,
        %swap3A_295 = vector.shape_cast %swap3A_294 : vector<1x16xf32> to vector<16xf32>
        %swap3A_296 = vector.shape_cast %mul3A_291 : vector<16xf32> to vector<1x16xf32>
        tpu.vector_store %arg7[%swap3A_292, %swap3A_293], %swap3A_296 {strides = array<i32>} : memref<128x128xf32, #tpu.memory_space<vmem>>, vector<1x16xf32>,
        %get3A_297 = arith.index_cast %scan3A_238 : i32 to index
        %get3A_298 = arith.constant 80 : index
        %get3A_299 = tpu.vector_load %arg7[%get3A_297, %get3A_298] {strides = array<i32>} : memref<128x128xf32, #tpu.memory_space<vmem>>, vector<1x16xf32>,
        %get3A_300 = vector.shape_cast %get3A_299 : vector<1x16xf32> to vector<16xf32>
        %mul3A_301 = arith.constant 11.3137083 : f32
        %mul3A_302 = vector.broadcast %mul3A_301 : f32 to vector<16xf32>
        %mul3A_303 = arith.mulf %get3A_300, %mul3A_302 : vector<16xf32>
        %swap3A_304 = arith.index_cast %scan3A_238 : i32 to index
        %swap3A_305 = arith.constant 80 : index
        %swap3A_306 = tpu.vector_load %arg7[%swap3A_304, %swap3A_305] {strides = array<i32>} : memref<128x128xf32, #tpu.memory_space<vmem>>, vector<1x16xf32>,
        %swap3A_307 = vector.shape_cast %swap3A_306 : vector<1x16xf32> to vector<16xf32>
        %swap3A_308 = vector.shape_cast %mul3A_303 : vector<16xf32> to vector<1x16xf32>
        tpu.vector_store %arg7[%swap3A_304, %swap3A_305], %swap3A_308 {strides = array<i32>} : memref<128x128xf32, #tpu.memory_space<vmem>>, vector<1x16xf32>,
        %get3A_309 = arith.index_cast %scan3A_238 : i32 to index
        %get3A_310 = arith.constant 96 : index
        %get3A_311 = tpu.vector_load %arg7[%get3A_309, %get3A_310] {strides = array<i32>} : memref<128x128xf32, #tpu.memory_space<vmem>>, vector<1x16xf32>,
        %get3A_312 = vector.shape_cast %get3A_311 : vector<1x16xf32> to vector<16xf32>
        %mul3A_313 = arith.constant 11.3137083 : f32
        %mul3A_314 = vector.broadcast %mul3A_313 : f32 to vector<16xf32>
        %mul3A_315 = arith.mulf %get3A_312, %mul3A_314 : vector<16xf32>
        %swap3A_316 = arith.index_cast %scan3A_238 : i32 to index
        %swap3A_317 = arith.constant 96 : index
        %swap3A_318 = tpu.vector_load %arg7[%swap3A_316, %swap3A_317] {strides = array<i32>} : memref<128x128xf32, #tpu.memory_space<vmem>>, vector<1x16xf32>,
        %swap3A_319 = vector.shape_cast %swap3A_318 : vector<1x16xf32> to vector<16xf32>
        %swap3A_320 = vector.shape_cast %mul3A_315 : vector<16xf32> to vector<1x16xf32>
        tpu.vector_store %arg7[%swap3A_316, %swap3A_317], %swap3A_320 {strides = array<i32>} : memref<128x128xf32, #tpu.memory_space<vmem>>, vector<1x16xf32>,
        %get3A_321 = arith.index_cast %scan3A_238 : i32 to index
        %get3A_322 = arith.constant 112 : index
        %get3A_323 = tpu.vector_load %arg7[%get3A_321, %get3A_322] {strides = array<i32>} : memref<128x128xf32, #tpu.memory_space<vmem>>, vector<1x16xf32>,
        %get3A_324 = vector.shape_cast %get3A_323 : vector<1x16xf32> to vector<16xf32>
        %mul3A_325 = arith.constant 11.3137083 : f32
        %mul3A_326 = vector.broadcast %mul3A_325 : f32 to vector<16xf32>
        %mul3A_327 = arith.mulf %get3A_324, %mul3A_326 : vector<16xf32>
        %swap3A_328 = arith.index_cast %scan3A_238 : i32 to index
        %swap3A_329 = arith.constant 112 : index
        %swap3A_330 = tpu.vector_load %arg7[%swap3A_328, %swap3A_329] {strides = array<i32>} : memref<128x128xf32, #tpu.memory_space<vmem>>, vector<1x16xf32>,
        %swap3A_331 = vector.shape_cast %swap3A_330 : vector<1x16xf32> to vector<16xf32>
        %swap3A_332 = vector.shape_cast %mul3A_327 : vector<16xf32> to vector<1x16xf32>
        tpu.vector_store %arg7[%swap3A_328, %swap3A_329], %swap3A_332 {strides = array<i32>} : memref<128x128xf32, #tpu.memory_space<vmem>>, vector<1x16xf32>,
      }
      %scan3A_98 = arith.constant 128 : i32
      %mul3A_99 = arith.constant 128 : i32
      %mul3A_100 = arith.muli %add3A_85, %mul3A_99 : i32
      %add3A_101 = arith.addi %mul3A_2, %mul3A_100 : i32
      %dma_start3A_102 = arith.constant 0 : i32
      %dma_start3A_103 = tpu.memref_slice %arg4[%add3A_101, %dma_start3A_102] : memref<819200x128xf32, #tpu.memory_space<hbm>> -> memref<128x128xf32, #tpu.memory_space<hbm>>
      %dma_start3A_104 = arith.constant 0 : i32
      %dma_start3A_105 = tpu.memref_slice %arg4[%add3A_101, %dma_start3A_104] : memref<819200x128xf32, #tpu.memory_space<hbm>> -> memref<128x128xf32, #tpu.memory_space<hbm>>
      tpu.enqueue_dma source(%arg7 : memref<128x128xf32, #tpu.memory_space<vmem>>) target(%dma_start3A_105 : memref<128x128xf32, #tpu.memory_space<hbm>>) target_semaphore(%arg17 : memref<!tpu.dma_semaphore, #tpu.memory_space<semaphore_mem>>)
      %add3A_106 = arith.constant 3 : i32
      %add3A_107 = arith.addi %add3A_85, %add3A_106 : i32
      %lt3A_108 = arith.constant 200 : i32
      %lt3A_109 = arith.cmpi slt, %add3A_107, %lt3A_108 : i32
      %ge3A_110 = arith.constant 5 : i32
      %ge3A_111 = arith.cmpi sge, %add3A_107, %ge3A_110 : i32
      %and3A_112 = arith.andi %lt3A_109, %ge3A_111 : i1
      %convert_element_type3A_113 = arith.extui %and3A_112 : i1 to i32
      %cond3A_114 = arith.constant 0 : i32
      %cond3A_115 = arith.cmpi ne, %convert_element_type3A_113, %cond3A_114 : i32
      scf.if %cond3A_115 {
        %dma_wait3A_238 = arith.constant 0 : i32
        %dma_wait3A_239 = tpu.memref_slice %arg4[%mul3A_2, %dma_wait3A_238] : memref<819200x128xf32, #tpu.memory_space<hbm>> -> memref<128x128xf32, #tpu.memory_space<hbm>>
        %dma_wait3A_240 = arith.constant 0 : i32
        %dma_wait3A_241 = tpu.memref_slice %arg4[%mul3A_2, %dma_wait3A_240] : memref<819200x128xf32, #tpu.memory_space<hbm>> -> memref<128x128xf32, #tpu.memory_space<hbm>>
        tpu.wait_dma2 semaphore(%arg20 : memref<!tpu.dma_semaphore, #tpu.memory_space<semaphore_mem>>) src(%arg10 : memref<128x128xf32, #tpu.memory_space<vmem>>) dst(%dma_wait3A_241 : memref<128x128xf32, #tpu.memory_space<hbm>>)
      } else {
      }
      %lt3A_116 = arith.constant 200 : i32
      %lt3A_117 = arith.cmpi slt, %add3A_107, %lt3A_116 : i32
      %convert_element_type3A_118 = arith.extui %lt3A_117 : i1 to i32
      %cond3A_119 = arith.constant 0 : i32
      %cond3A_120 = arith.cmpi ne, %convert_element_type3A_118, %cond3A_119 : i32
      scf.if %cond3A_120 {
        %dma_start3A_238 = arith.constant 0 : i32
        %dma_start3A_239 = tpu.memref_slice %arg5[%add3A_107, %dma_start3A_238] : memref<200x128xi32, #tpu.memory_space<vmem>> -> memref<1x128xi32, #tpu.memory_space<vmem>>
        %dma_start3A_240 = tpu.memref_squeeze %dma_start3A_239 : memref<1x128xi32, #tpu.memory_space<vmem>> -> memref<128xi32, #tpu.memory_space<vmem>>
        %dma_start3A_241 = arith.constant 0 : i32
        %dma_start3A_242 = arith.constant 0 : i32
        %dma_start3A_243 = tpu.memref_slice %arg3[%dma_start3A_241, %dma_start3A_242] : memref<100000x128xf32, #tpu.memory_space<hbm>> -> memref<100000x128xf32, #tpu.memory_space<hbm>>
        tpu.enqueue_indirect_dma source(%dma_start3A_243 : memref<100000x128xf32, #tpu.memory_space<hbm>>) target(%arg10 : memref<128x128xf32, #tpu.memory_space<vmem>>) offsets(%dma_start3A_240 : memref<128xi32, #tpu.memory_space<vmem>>) semaphore(%arg15 : memref<!tpu.dma_semaphore, #tpu.memory_space<semaphore_mem>>)
      } else {
      }
      %mul3A_121 = arith.constant 5 : i32
      %mul3A_122 = arith.muli %scan3A_47, %mul3A_121 : i32
      %add3A_123 = arith.constant 2 : i32
      %add3A_124 = arith.addi %mul3A_122, %add3A_123 : i32
      %dma_wait3A_125 = arith.constant 0 : i32
      %dma_wait3A_126 = arith.constant 0 : i32
      %dma_wait3A_127 = tpu.memref_slice %arg5[%dma_wait3A_125, %dma_wait3A_126] : memref<200x128xi32, #tpu.memory_space<vmem>> -> memref<1x128xi32, #tpu.memory_space<vmem>>
      %dma_wait3A_128 = tpu.memref_squeeze %dma_wait3A_127 : memref<1x128xi32, #tpu.memory_space<vmem>> -> memref<128xi32, #tpu.memory_space<vmem>>
      %dma_wait3A_129 = arith.constant 0 : i32
      %dma_wait3A_130 = arith.constant 0 : i32
      %dma_wait3A_131 = tpu.memref_slice %arg3[%dma_wait3A_129, %dma_wait3A_130] : memref<100000x128xf32, #tpu.memory_space<hbm>> -> memref<100000x128xf32, #tpu.memory_space<hbm>>
      tpu.wait_indirect_dma semaphore(%arg13 : memref<!tpu.dma_semaphore, #tpu.memory_space<semaphore_mem>>) src(%dma_wait3A_131 : memref<100000x128xf32, #tpu.memory_space<hbm>>) dst(%arg8 : memref<128x128xf32, #tpu.memory_space<vmem>>)
      %scan3A_132 = arith.constant 0 : i32
      %scan3A_133 = arith.constant 0 : i32
      %scan3A_134 = arith.constant 128 : i32
      %scan3A_135 = arith.addi %scan3A_133, %scan3A_134 : i32
      %scan3A_136 = arith.constant 1 : i32
      scf.for %scan3A_238 = %scan3A_133 to %scan3A_135 step %scan3A_136  : i32 {
        %get3A = arith.index_cast %scan3A_238 : i32 to index
        %get3A_239 = arith.constant 0 : index
        %get3A_240 = tpu.vector_load %arg8[%get3A, %get3A_239] {strides = array<i32>} : memref<128x128xf32, #tpu.memory_space<vmem>>, vector<1x16xf32>,
        %get3A_241 = vector.shape_cast %get3A_240 : vector<1x16xf32> to vector<16xf32>
        %mul3A_242 = arith.constant 11.3137083 : f32
        %mul3A_243 = vector.broadcast %mul3A_242 : f32 to vector<16xf32>
        %mul3A_244 = arith.mulf %get3A_241, %mul3A_243 : vector<16xf32>
        %swap3A = arith.index_cast %scan3A_238 : i32 to index
        %swap3A_245 = arith.constant 0 : index
        %swap3A_246 = tpu.vector_load %arg8[%swap3A, %swap3A_245] {strides = array<i32>} : memref<128x128xf32, #tpu.memory_space<vmem>>, vector<1x16xf32>,
        %swap3A_247 = vector.shape_cast %swap3A_246 : vector<1x16xf32> to vector<16xf32>
        %swap3A_248 = vector.shape_cast %mul3A_244 : vector<16xf32> to vector<1x16xf32>
        tpu.vector_store %arg8[%swap3A, %swap3A_245], %swap3A_248 {strides = array<i32>} : memref<128x128xf32, #tpu.memory_space<vmem>>, vector<1x16xf32>,
        %get3A_249 = arith.index_cast %scan3A_238 : i32 to index
        %get3A_250 = arith.constant 16 : index
        %get3A_251 = tpu.vector_load %arg8[%get3A_249, %get3A_250] {strides = array<i32>} : memref<128x128xf32, #tpu.memory_space<vmem>>, vector<1x16xf32>,
        %get3A_252 = vector.shape_cast %get3A_251 : vector<1x16xf32> to vector<16xf32>
        %mul3A_253 = arith.constant 11.3137083 : f32
        %mul3A_254 = vector.broadcast %mul3A_253 : f32 to vector<16xf32>
        %mul3A_255 = arith.mulf %get3A_252, %mul3A_254 : vector<16xf32>
        %swap3A_256 = arith.index_cast %scan3A_238 : i32 to index
        %swap3A_257 = arith.constant 16 : index
        %swap3A_258 = tpu.vector_load %arg8[%swap3A_256, %swap3A_257] {strides = array<i32>} : memref<128x128xf32, #tpu.memory_space<vmem>>, vector<1x16xf32>,
        %swap3A_259 = vector.shape_cast %swap3A_258 : vector<1x16xf32> to vector<16xf32>
        %swap3A_260 = vector.shape_cast %mul3A_255 : vector<16xf32> to vector<1x16xf32>
        tpu.vector_store %arg8[%swap3A_256, %swap3A_257], %swap3A_260 {strides = array<i32>} : memref<128x128xf32, #tpu.memory_space<vmem>>, vector<1x16xf32>,
        %get3A_261 = arith.index_cast %scan3A_238 : i32 to index
        %get3A_262 = arith.constant 32 : index
        %get3A_263 = tpu.vector_load %arg8[%get3A_261, %get3A_262] {strides = array<i32>} : memref<128x128xf32, #tpu.memory_space<vmem>>, vector<1x16xf32>,
        %get3A_264 = vector.shape_cast %get3A_263 : vector<1x16xf32> to vector<16xf32>
        %mul3A_265 = arith.constant 11.3137083 : f32
        %mul3A_266 = vector.broadcast %mul3A_265 : f32 to vector<16xf32>
        %mul3A_267 = arith.mulf %get3A_264, %mul3A_266 : vector<16xf32>
        %swap3A_268 = arith.index_cast %scan3A_238 : i32 to index
        %swap3A_269 = arith.constant 32 : index
        %swap3A_270 = tpu.vector_load %arg8[%swap3A_268, %swap3A_269] {strides = array<i32>} : memref<128x128xf32, #tpu.memory_space<vmem>>, vector<1x16xf32>,
        %swap3A_271 = vector.shape_cast %swap3A_270 : vector<1x16xf32> to vector<16xf32>
        %swap3A_272 = vector.shape_cast %mul3A_267 : vector<16xf32> to vector<1x16xf32>
        tpu.vector_store %arg8[%swap3A_268, %swap3A_269], %swap3A_272 {strides = array<i32>} : memref<128x128xf32, #tpu.memory_space<vmem>>, vector<1x16xf32>,
        %get3A_273 = arith.index_cast %scan3A_238 : i32 to index
        %get3A_274 = arith.constant 48 : index
        %get3A_275 = tpu.vector_load %arg8[%get3A_273, %get3A_274] {strides = array<i32>} : memref<128x128xf32, #tpu.memory_space<vmem>>, vector<1x16xf32>,
        %get3A_276 = vector.shape_cast %get3A_275 : vector<1x16xf32> to vector<16xf32>
        %mul3A_277 = arith.constant 11.3137083 : f32
        %mul3A_278 = vector.broadcast %mul3A_277 : f32 to vector<16xf32>
        %mul3A_279 = arith.mulf %get3A_276, %mul3A_278 : vector<16xf32>
        %swap3A_280 = arith.index_cast %scan3A_238 : i32 to index
        %swap3A_281 = arith.constant 48 : index
        %swap3A_282 = tpu.vector_load %arg8[%swap3A_280, %swap3A_281] {strides = array<i32>} : memref<128x128xf32, #tpu.memory_space<vmem>>, vector<1x16xf32>,
        %swap3A_283 = vector.shape_cast %swap3A_282 : vector<1x16xf32> to vector<16xf32>
        %swap3A_284 = vector.shape_cast %mul3A_279 : vector<16xf32> to vector<1x16xf32>
        tpu.vector_store %arg8[%swap3A_280, %swap3A_281], %swap3A_284 {strides = array<i32>} : memref<128x128xf32, #tpu.memory_space<vmem>>, vector<1x16xf32>,
        %get3A_285 = arith.index_cast %scan3A_238 : i32 to index
        %get3A_286 = arith.constant 64 : index
        %get3A_287 = tpu.vector_load %arg8[%get3A_285, %get3A_286] {strides = array<i32>} : memref<128x128xf32, #tpu.memory_space<vmem>>, vector<1x16xf32>,
        %get3A_288 = vector.shape_cast %get3A_287 : vector<1x16xf32> to vector<16xf32>
        %mul3A_289 = arith.constant 11.3137083 : f32
        %mul3A_290 = vector.broadcast %mul3A_289 : f32 to vector<16xf32>
        %mul3A_291 = arith.mulf %get3A_288, %mul3A_290 : vector<16xf32>
        %swap3A_292 = arith.index_cast %scan3A_238 : i32 to index
        %swap3A_293 = arith.constant 64 : index
        %swap3A_294 = tpu.vector_load %arg8[%swap3A_292, %swap3A_293] {strides = array<i32>} : memref<128x128xf32, #tpu.memory_space<vmem>>, vector<1x16xf32>,
        %swap3A_295 = vector.shape_cast %swap3A_294 : vector<1x16xf32> to vector<16xf32>
        %swap3A_296 = vector.shape_cast %mul3A_291 : vector<16xf32> to vector<1x16xf32>
        tpu.vector_store %arg8[%swap3A_292, %swap3A_293], %swap3A_296 {strides = array<i32>} : memref<128x128xf32, #tpu.memory_space<vmem>>, vector<1x16xf32>,
        %get3A_297 = arith.index_cast %scan3A_238 : i32 to index
        %get3A_298 = arith.constant 80 : index
        %get3A_299 = tpu.vector_load %arg8[%get3A_297, %get3A_298] {strides = array<i32>} : memref<128x128xf32, #tpu.memory_space<vmem>>, vector<1x16xf32>,
        %get3A_300 = vector.shape_cast %get3A_299 : vector<1x16xf32> to vector<16xf32>
        %mul3A_301 = arith.constant 11.3137083 : f32
        %mul3A_302 = vector.broadcast %mul3A_301 : f32 to vector<16xf32>
        %mul3A_303 = arith.mulf %get3A_300, %mul3A_302 : vector<16xf32>
        %swap3A_304 = arith.index_cast %scan3A_238 : i32 to index
        %swap3A_305 = arith.constant 80 : index
        %swap3A_306 = tpu.vector_load %arg8[%swap3A_304, %swap3A_305] {strides = array<i32>} : memref<128x128xf32, #tpu.memory_space<vmem>>, vector<1x16xf32>,
        %swap3A_307 = vector.shape_cast %swap3A_306 : vector<1x16xf32> to vector<16xf32>
        %swap3A_308 = vector.shape_cast %mul3A_303 : vector<16xf32> to vector<1x16xf32>
        tpu.vector_store %arg8[%swap3A_304, %swap3A_305], %swap3A_308 {strides = array<i32>} : memref<128x128xf32, #tpu.memory_space<vmem>>, vector<1x16xf32>,
        %get3A_309 = arith.index_cast %scan3A_238 : i32 to index
        %get3A_310 = arith.constant 96 : index
        %get3A_311 = tpu.vector_load %arg8[%get3A_309, %get3A_310] {strides = array<i32>} : memref<128x128xf32, #tpu.memory_space<vmem>>, vector<1x16xf32>,
        %get3A_312 = vector.shape_cast %get3A_311 : vector<1x16xf32> to vector<16xf32>
        %mul3A_313 = arith.constant 11.3137083 : f32
        %mul3A_314 = vector.broadcast %mul3A_313 : f32 to vector<16xf32>
        %mul3A_315 = arith.mulf %get3A_312, %mul3A_314 : vector<16xf32>
        %swap3A_316 = arith.index_cast %scan3A_238 : i32 to index
        %swap3A_317 = arith.constant 96 : index
        %swap3A_318 = tpu.vector_load %arg8[%swap3A_316, %swap3A_317] {strides = array<i32>} : memref<128x128xf32, #tpu.memory_space<vmem>>, vector<1x16xf32>,
        %swap3A_319 = vector.shape_cast %swap3A_318 : vector<1x16xf32> to vector<16xf32>
        %swap3A_320 = vector.shape_cast %mul3A_315 : vector<16xf32> to vector<1x16xf32>
        tpu.vector_store %arg8[%swap3A_316, %swap3A_317], %swap3A_320 {strides = array<i32>} : memref<128x128xf32, #tpu.memory_space<vmem>>, vector<1x16xf32>,
        %get3A_321 = arith.index_cast %scan3A_238 : i32 to index
        %get3A_322 = arith.constant 112 : index
        %get3A_323 = tpu.vector_load %arg8[%get3A_321, %get3A_322] {strides = array<i32>} : memref<128x128xf32, #tpu.memory_space<vmem>>, vector<1x16xf32>,
        %get3A_324 = vector.shape_cast %get3A_323 : vector<1x16xf32> to vector<16xf32>
        %mul3A_325 = arith.constant 11.3137083 : f32
        %mul3A_326 = vector.broadcast %mul3A_325 : f32 to vector<16xf32>
        %mul3A_327 = arith.mulf %get3A_324, %mul3A_326 : vector<16xf32>
        %swap3A_328 = arith.index_cast %scan3A_238 : i32 to index
        %swap3A_329 = arith.constant 112 : index
        %swap3A_330 = tpu.vector_load %arg8[%swap3A_328, %swap3A_329] {strides = array<i32>} : memref<128x128xf32, #tpu.memory_space<vmem>>, vector<1x16xf32>,
        %swap3A_331 = vector.shape_cast %swap3A_330 : vector<1x16xf32> to vector<16xf32>
        %swap3A_332 = vector.shape_cast %mul3A_327 : vector<16xf32> to vector<1x16xf32>
        tpu.vector_store %arg8[%swap3A_328, %swap3A_329], %swap3A_332 {strides = array<i32>} : memref<128x128xf32, #tpu.memory_space<vmem>>, vector<1x16xf32>,
      }
      %scan3A_137 = arith.constant 128 : i32
      %mul3A_138 = arith.constant 128 : i32
      %mul3A_139 = arith.muli %add3A_124, %mul3A_138 : i32
      %add3A_140 = arith.addi %mul3A_2, %mul3A_139 : i32
      %dma_start3A_141 = arith.constant 0 : i32
      %dma_start3A_142 = tpu.memref_slice %arg4[%add3A_140, %dma_start3A_141] : memref<819200x128xf32, #tpu.memory_space<hbm>> -> memref<128x128xf32, #tpu.memory_space<hbm>>
      %dma_start3A_143 = arith.constant 0 : i32
      %dma_start3A_144 = tpu.memref_slice %arg4[%add3A_140, %dma_start3A_143] : memref<819200x128xf32, #tpu.memory_space<hbm>> -> memref<128x128xf32, #tpu.memory_space<hbm>>
      tpu.enqueue_dma source(%arg8 : memref<128x128xf32, #tpu.memory_space<vmem>>) target(%dma_start3A_144 : memref<128x128xf32, #tpu.memory_space<hbm>>) target_semaphore(%arg18 : memref<!tpu.dma_semaphore, #tpu.memory_space<semaphore_mem>>)
      %add3A_145 = arith.constant 3 : i32
      %add3A_146 = arith.addi %add3A_124, %add3A_145 : i32
      %lt3A_147 = arith.constant 200 : i32
      %lt3A_148 = arith.cmpi slt, %add3A_146, %lt3A_147 : i32
      %ge3A_149 = arith.constant 5 : i32
      %ge3A_150 = arith.cmpi sge, %add3A_146, %ge3A_149 : i32
      %and3A_151 = arith.andi %lt3A_148, %ge3A_150 : i1
      %convert_element_type3A_152 = arith.extui %and3A_151 : i1 to i32
      %cond3A_153 = arith.constant 0 : i32
      %cond3A_154 = arith.cmpi ne, %convert_element_type3A_152, %cond3A_153 : i32
      scf.if %cond3A_154 {
        %dma_wait3A_238 = arith.constant 0 : i32
        %dma_wait3A_239 = tpu.memref_slice %arg4[%mul3A_2, %dma_wait3A_238] : memref<819200x128xf32, #tpu.memory_space<hbm>> -> memref<128x128xf32, #tpu.memory_space<hbm>>
        %dma_wait3A_240 = arith.constant 0 : i32
        %dma_wait3A_241 = tpu.memref_slice %arg4[%mul3A_2, %dma_wait3A_240] : memref<819200x128xf32, #tpu.memory_space<hbm>> -> memref<128x128xf32, #tpu.memory_space<hbm>>
        tpu.wait_dma2 semaphore(%arg16 : memref<!tpu.dma_semaphore, #tpu.memory_space<semaphore_mem>>) src(%arg6 : memref<128x128xf32, #tpu.memory_space<vmem>>) dst(%dma_wait3A_241 : memref<128x128xf32, #tpu.memory_space<hbm>>)
      } else {
      }
      %lt3A_155 = arith.constant 200 : i32
      %lt3A_156 = arith.cmpi slt, %add3A_146, %lt3A_155 : i32
      %convert_element_type3A_157 = arith.extui %lt3A_156 : i1 to i32
      %cond3A_158 = arith.constant 0 : i32
      %cond3A_159 = arith.cmpi ne, %convert_element_type3A_157, %cond3A_158 : i32
      scf.if %cond3A_159 {
        %dma_start3A_238 = arith.constant 0 : i32
        %dma_start3A_239 = tpu.memref_slice %arg5[%add3A_146, %dma_start3A_238] : memref<200x128xi32, #tpu.memory_space<vmem>> -> memref<1x128xi32, #tpu.memory_space<vmem>>
        %dma_start3A_240 = tpu.memref_squeeze %dma_start3A_239 : memref<1x128xi32, #tpu.memory_space<vmem>> -> memref<128xi32, #tpu.memory_space<vmem>>
        %dma_start3A_241 = arith.constant 0 : i32
        %dma_start3A_242 = arith.constant 0 : i32
        %dma_start3A_243 = tpu.memref_slice %arg3[%dma_start3A_241, %dma_start3A_242] : memref<100000x128xf32, #tpu.memory_space<hbm>> -> memref<100000x128xf32, #tpu.memory_space<hbm>>
        tpu.enqueue_indirect_dma source(%dma_start3A_243 : memref<100000x128xf32, #tpu.memory_space<hbm>>) target(%arg6 : memref<128x128xf32, #tpu.memory_space<vmem>>) offsets(%dma_start3A_240 : memref<128xi32, #tpu.memory_space<vmem>>) semaphore(%arg11 : memref<!tpu.dma_semaphore, #tpu.memory_space<semaphore_mem>>)
      } else {
      }
      %mul3A_160 = arith.constant 5 : i32
      %mul3A_161 = arith.muli %scan3A_47, %mul3A_160 : i32
      %add3A_162 = arith.constant 3 : i32
      %add3A_163 = arith.addi %mul3A_161, %add3A_162 : i32
      %dma_wait3A_164 = arith.constant 0 : i32
      %dma_wait3A_165 = arith.constant 0 : i32
      %dma_wait3A_166 = tpu.memref_slice %arg5[%dma_wait3A_164, %dma_wait3A_165] : memref<200x128xi32, #tpu.memory_space<vmem>> -> memref<1x128xi32, #tpu.memory_space<vmem>>
      %dma_wait3A_167 = tpu.memref_squeeze %dma_wait3A_166 : memref<1x128xi32, #tpu.memory_space<vmem>> -> memref<128xi32, #tpu.memory_space<vmem>>
      %dma_wait3A_168 = arith.constant 0 : i32
      %dma_wait3A_169 = arith.constant 0 : i32
      %dma_wait3A_170 = tpu.memref_slice %arg3[%dma_wait3A_168, %dma_wait3A_169] : memref<100000x128xf32, #tpu.memory_space<hbm>> -> memref<100000x128xf32, #tpu.memory_space<hbm>>
      tpu.wait_indirect_dma semaphore(%arg14 : memref<!tpu.dma_semaphore, #tpu.memory_space<semaphore_mem>>) src(%dma_wait3A_170 : memref<100000x128xf32, #tpu.memory_space<hbm>>) dst(%arg9 : memref<128x128xf32, #tpu.memory_space<vmem>>)
      %scan3A_171 = arith.constant 0 : i32
      %scan3A_172 = arith.constant 0 : i32
      %scan3A_173 = arith.constant 128 : i32
      %scan3A_174 = arith.addi %scan3A_172, %scan3A_173 : i32
      %scan3A_175 = arith.constant 1 : i32
      scf.for %scan3A_238 = %scan3A_172 to %scan3A_174 step %scan3A_175  : i32 {
        %get3A = arith.index_cast %scan3A_238 : i32 to index
        %get3A_239 = arith.constant 0 : index
        %get3A_240 = tpu.vector_load %arg9[%get3A, %get3A_239] {strides = array<i32>} : memref<128x128xf32, #tpu.memory_space<vmem>>, vector<1x16xf32>,
        %get3A_241 = vector.shape_cast %get3A_240 : vector<1x16xf32> to vector<16xf32>
        %mul3A_242 = arith.constant 11.3137083 : f32
        %mul3A_243 = vector.broadcast %mul3A_242 : f32 to vector<16xf32>
        %mul3A_244 = arith.mulf %get3A_241, %mul3A_243 : vector<16xf32>
        %swap3A = arith.index_cast %scan3A_238 : i32 to index
        %swap3A_245 = arith.constant 0 : index
        %swap3A_246 = tpu.vector_load %arg9[%swap3A, %swap3A_245] {strides = array<i32>} : memref<128x128xf32, #tpu.memory_space<vmem>>, vector<1x16xf32>,
        %swap3A_247 = vector.shape_cast %swap3A_246 : vector<1x16xf32> to vector<16xf32>
        %swap3A_248 = vector.shape_cast %mul3A_244 : vector<16xf32> to vector<1x16xf32>
        tpu.vector_store %arg9[%swap3A, %swap3A_245], %swap3A_248 {strides = array<i32>} : memref<128x128xf32, #tpu.memory_space<vmem>>, vector<1x16xf32>,
        %get3A_249 = arith.index_cast %scan3A_238 : i32 to index
        %get3A_250 = arith.constant 16 : index
        %get3A_251 = tpu.vector_load %arg9[%get3A_249, %get3A_250] {strides = array<i32>} : memref<128x128xf32, #tpu.memory_space<vmem>>, vector<1x16xf32>,
        %get3A_252 = vector.shape_cast %get3A_251 : vector<1x16xf32> to vector<16xf32>
        %mul3A_253 = arith.constant 11.3137083 : f32
        %mul3A_254 = vector.broadcast %mul3A_253 : f32 to vector<16xf32>
        %mul3A_255 = arith.mulf %get3A_252, %mul3A_254 : vector<16xf32>
        %swap3A_256 = arith.index_cast %scan3A_238 : i32 to index
        %swap3A_257 = arith.constant 16 : index
        %swap3A_258 = tpu.vector_load %arg9[%swap3A_256, %swap3A_257] {strides = array<i32>} : memref<128x128xf32, #tpu.memory_space<vmem>>, vector<1x16xf32>,
        %swap3A_259 = vector.shape_cast %swap3A_258 : vector<1x16xf32> to vector<16xf32>
        %swap3A_260 = vector.shape_cast %mul3A_255 : vector<16xf32> to vector<1x16xf32>
        tpu.vector_store %arg9[%swap3A_256, %swap3A_257], %swap3A_260 {strides = array<i32>} : memref<128x128xf32, #tpu.memory_space<vmem>>, vector<1x16xf32>,
        %get3A_261 = arith.index_cast %scan3A_238 : i32 to index
        %get3A_262 = arith.constant 32 : index
        %get3A_263 = tpu.vector_load %arg9[%get3A_261, %get3A_262] {strides = array<i32>} : memref<128x128xf32, #tpu.memory_space<vmem>>, vector<1x16xf32>,
        %get3A_264 = vector.shape_cast %get3A_263 : vector<1x16xf32> to vector<16xf32>
        %mul3A_265 = arith.constant 11.3137083 : f32
        %mul3A_266 = vector.broadcast %mul3A_265 : f32 to vector<16xf32>
        %mul3A_267 = arith.mulf %get3A_264, %mul3A_266 : vector<16xf32>
        %swap3A_268 = arith.index_cast %scan3A_238 : i32 to index
        %swap3A_269 = arith.constant 32 : index
        %swap3A_270 = tpu.vector_load %arg9[%swap3A_268, %swap3A_269] {strides = array<i32>} : memref<128x128xf32, #tpu.memory_space<vmem>>, vector<1x16xf32>,
        %swap3A_271 = vector.shape_cast %swap3A_270 : vector<1x16xf32> to vector<16xf32>
        %swap3A_272 = vector.shape_cast %mul3A_267 : vector<16xf32> to vector<1x16xf32>
        tpu.vector_store %arg9[%swap3A_268, %swap3A_269], %swap3A_272 {strides = array<i32>} : memref<128x128xf32, #tpu.memory_space<vmem>>, vector<1x16xf32>,
        %get3A_273 = arith.index_cast %scan3A_238 : i32 to index
        %get3A_274 = arith.constant 48 : index
        %get3A_275 = tpu.vector_load %arg9[%get3A_273, %get3A_274] {strides = array<i32>} : memref<128x128xf32, #tpu.memory_space<vmem>>, vector<1x16xf32>,
        %get3A_276 = vector.shape_cast %get3A_275 : vector<1x16xf32> to vector<16xf32>
        %mul3A_277 = arith.constant 11.3137083 : f32
        %mul3A_278 = vector.broadcast %mul3A_277 : f32 to vector<16xf32>
        %mul3A_279 = arith.mulf %get3A_276, %mul3A_278 : vector<16xf32>
        %swap3A_280 = arith.index_cast %scan3A_238 : i32 to index
        %swap3A_281 = arith.constant 48 : index
        %swap3A_282 = tpu.vector_load %arg9[%swap3A_280, %swap3A_281] {strides = array<i32>} : memref<128x128xf32, #tpu.memory_space<vmem>>, vector<1x16xf32>,
        %swap3A_283 = vector.shape_cast %swap3A_282 : vector<1x16xf32> to vector<16xf32>
        %swap3A_284 = vector.shape_cast %mul3A_279 : vector<16xf32> to vector<1x16xf32>
        tpu.vector_store %arg9[%swap3A_280, %swap3A_281], %swap3A_284 {strides = array<i32>} : memref<128x128xf32, #tpu.memory_space<vmem>>, vector<1x16xf32>,
        %get3A_285 = arith.index_cast %scan3A_238 : i32 to index
        %get3A_286 = arith.constant 64 : index
        %get3A_287 = tpu.vector_load %arg9[%get3A_285, %get3A_286] {strides = array<i32>} : memref<128x128xf32, #tpu.memory_space<vmem>>, vector<1x16xf32>,
        %get3A_288 = vector.shape_cast %get3A_287 : vector<1x16xf32> to vector<16xf32>
        %mul3A_289 = arith.constant 11.3137083 : f32
        %mul3A_290 = vector.broadcast %mul3A_289 : f32 to vector<16xf32>
        %mul3A_291 = arith.mulf %get3A_288, %mul3A_290 : vector<16xf32>
        %swap3A_292 = arith.index_cast %scan3A_238 : i32 to index
        %swap3A_293 = arith.constant 64 : index
        %swap3A_294 = tpu.vector_load %arg9[%swap3A_292, %swap3A_293] {strides = array<i32>} : memref<128x128xf32, #tpu.memory_space<vmem>>, vector<1x16xf32>,
        %swap3A_295 = vector.shape_cast %swap3A_294 : vector<1x16xf32> to vector<16xf32>
        %swap3A_296 = vector.shape_cast %mul3A_291 : vector<16xf32> to vector<1x16xf32>
        tpu.vector_store %arg9[%swap3A_292, %swap3A_293], %swap3A_296 {strides = array<i32>} : memref<128x128xf32, #tpu.memory_space<vmem>>, vector<1x16xf32>,
        %get3A_297 = arith.index_cast %scan3A_238 : i32 to index
        %get3A_298 = arith.constant 80 : index
        %get3A_299 = tpu.vector_load %arg9[%get3A_297, %get3A_298] {strides = array<i32>} : memref<128x128xf32, #tpu.memory_space<vmem>>, vector<1x16xf32>,
        %get3A_300 = vector.shape_cast %get3A_299 : vector<1x16xf32> to vector<16xf32>
        %mul3A_301 = arith.constant 11.3137083 : f32
        %mul3A_302 = vector.broadcast %mul3A_301 : f32 to vector<16xf32>
        %mul3A_303 = arith.mulf %get3A_300, %mul3A_302 : vector<16xf32>
        %swap3A_304 = arith.index_cast %scan3A_238 : i32 to index
        %swap3A_305 = arith.constant 80 : index
        %swap3A_306 = tpu.vector_load %arg9[%swap3A_304, %swap3A_305] {strides = array<i32>} : memref<128x128xf32, #tpu.memory_space<vmem>>, vector<1x16xf32>,
        %swap3A_307 = vector.shape_cast %swap3A_306 : vector<1x16xf32> to vector<16xf32>
        %swap3A_308 = vector.shape_cast %mul3A_303 : vector<16xf32> to vector<1x16xf32>
        tpu.vector_store %arg9[%swap3A_304, %swap3A_305], %swap3A_308 {strides = array<i32>} : memref<128x128xf32, #tpu.memory_space<vmem>>, vector<1x16xf32>,
        %get3A_309 = arith.index_cast %scan3A_238 : i32 to index
        %get3A_310 = arith.constant 96 : index
        %get3A_311 = tpu.vector_load %arg9[%get3A_309, %get3A_310] {strides = array<i32>} : memref<128x128xf32, #tpu.memory_space<vmem>>, vector<1x16xf32>,
        %get3A_312 = vector.shape_cast %get3A_311 : vector<1x16xf32> to vector<16xf32>
        %mul3A_313 = arith.constant 11.3137083 : f32
        %mul3A_314 = vector.broadcast %mul3A_313 : f32 to vector<16xf32>
        %mul3A_315 = arith.mulf %get3A_312, %mul3A_314 : vector<16xf32>
        %swap3A_316 = arith.index_cast %scan3A_238 : i32 to index
        %swap3A_317 = arith.constant 96 : index
        %swap3A_318 = tpu.vector_load %arg9[%swap3A_316, %swap3A_317] {strides = array<i32>} : memref<128x128xf32, #tpu.memory_space<vmem>>, vector<1x16xf32>,
        %swap3A_319 = vector.shape_cast %swap3A_318 : vector<1x16xf32> to vector<16xf32>
        %swap3A_320 = vector.shape_cast %mul3A_315 : vector<16xf32> to vector<1x16xf32>
        tpu.vector_store %arg9[%swap3A_316, %swap3A_317], %swap3A_320 {strides = array<i32>} : memref<128x128xf32, #tpu.memory_space<vmem>>, vector<1x16xf32>,
        %get3A_321 = arith.index_cast %scan3A_238 : i32 to index
        %get3A_322 = arith.constant 112 : index
        %get3A_323 = tpu.vector_load %arg9[%get3A_321, %get3A_322] {strides = array<i32>} : memref<128x128xf32, #tpu.memory_space<vmem>>, vector<1x16xf32>,
        %get3A_324 = vector.shape_cast %get3A_323 : vector<1x16xf32> to vector<16xf32>
        %mul3A_325 = arith.constant 11.3137083 : f32
        %mul3A_326 = vector.broadcast %mul3A_325 : f32 to vector<16xf32>
        %mul3A_327 = arith.mulf %get3A_324, %mul3A_326 : vector<16xf32>
        %swap3A_328 = arith.index_cast %scan3A_238 : i32 to index
        %swap3A_329 = arith.constant 112 : index
        %swap3A_330 = tpu.vector_load %arg9[%swap3A_328, %swap3A_329] {strides = array<i32>} : memref<128x128xf32, #tpu.memory_space<vmem>>, vector<1x16xf32>,
        %swap3A_331 = vector.shape_cast %swap3A_330 : vector<1x16xf32> to vector<16xf32>
        %swap3A_332 = vector.shape_cast %mul3A_327 : vector<16xf32> to vector<1x16xf32>
        tpu.vector_store %arg9[%swap3A_328, %swap3A_329], %swap3A_332 {strides = array<i32>} : memref<128x128xf32, #tpu.memory_space<vmem>>, vector<1x16xf32>,
      }
      %scan3A_176 = arith.constant 128 : i32
      %mul3A_177 = arith.constant 128 : i32
      %mul3A_178 = arith.muli %add3A_163, %mul3A_177 : i32
      %add3A_179 = arith.addi %mul3A_2, %mul3A_178 : i32
      %dma_start3A_180 = arith.constant 0 : i32
      %dma_start3A_181 = tpu.memref_slice %arg4[%add3A_179, %dma_start3A_180] : memref<819200x128xf32, #tpu.memory_space<hbm>> -> memref<128x128xf32, #tpu.memory_space<hbm>>
      %dma_start3A_182 = arith.constant 0 : i32
      %dma_start3A_183 = tpu.memref_slice %arg4[%add3A_179, %dma_start3A_182] : memref<819200x128xf32, #tpu.memory_space<hbm>> -> memref<128x128xf32, #tpu.memory_space<hbm>>
      tpu.enqueue_dma source(%arg9 : memref<128x128xf32, #tpu.memory_space<vmem>>) target(%dma_start3A_183 : memref<128x128xf32, #tpu.memory_space<hbm>>) target_semaphore(%arg19 : memref<!tpu.dma_semaphore, #tpu.memory_space<semaphore_mem>>)
      %add3A_184 = arith.constant 3 : i32
      %add3A_185 = arith.addi %add3A_163, %add3A_184 : i32
      %lt3A_186 = arith.constant 200 : i32
      %lt3A_187 = arith.cmpi slt, %add3A_185, %lt3A_186 : i32
      %ge3A_188 = arith.constant 5 : i32
      %ge3A_189 = arith.cmpi sge, %add3A_185, %ge3A_188 : i32
      %and3A_190 = arith.andi %lt3A_187, %ge3A_189 : i1
      %convert_element_type3A_191 = arith.extui %and3A_190 : i1 to i32
      %cond3A_192 = arith.constant 0 : i32
      %cond3A_193 = arith.cmpi ne, %convert_element_type3A_191, %cond3A_192 : i32
      scf.if %cond3A_193 {
        %dma_wait3A_238 = arith.constant 0 : i32
        %dma_wait3A_239 = tpu.memref_slice %arg4[%mul3A_2, %dma_wait3A_238] : memref<819200x128xf32, #tpu.memory_space<hbm>> -> memref<128x128xf32, #tpu.memory_space<hbm>>
        %dma_wait3A_240 = arith.constant 0 : i32
        %dma_wait3A_241 = tpu.memref_slice %arg4[%mul3A_2, %dma_wait3A_240] : memref<819200x128xf32, #tpu.memory_space<hbm>> -> memref<128x128xf32, #tpu.memory_space<hbm>>
        tpu.wait_dma2 semaphore(%arg17 : memref<!tpu.dma_semaphore, #tpu.memory_space<semaphore_mem>>) src(%arg7 : memref<128x128xf32, #tpu.memory_space<vmem>>) dst(%dma_wait3A_241 : memref<128x128xf32, #tpu.memory_space<hbm>>)
      } else {
      }
      %lt3A_194 = arith.constant 200 : i32
      %lt3A_195 = arith.cmpi slt, %add3A_185, %lt3A_194 : i32
      %convert_element_type3A_196 = arith.extui %lt3A_195 : i1 to i32
      %cond3A_197 = arith.constant 0 : i32
      %cond3A_198 = arith.cmpi ne, %convert_element_type3A_196, %cond3A_197 : i32
      scf.if %cond3A_198 {
        %dma_start3A_238 = arith.constant 0 : i32
        %dma_start3A_239 = tpu.memref_slice %arg5[%add3A_185, %dma_start3A_238] : memref<200x128xi32, #tpu.memory_space<vmem>> -> memref<1x128xi32, #tpu.memory_space<vmem>>
        %dma_start3A_240 = tpu.memref_squeeze %dma_start3A_239 : memref<1x128xi32, #tpu.memory_space<vmem>> -> memref<128xi32, #tpu.memory_space<vmem>>
        %dma_start3A_241 = arith.constant 0 : i32
        %dma_start3A_242 = arith.constant 0 : i32
        %dma_start3A_243 = tpu.memref_slice %arg3[%dma_start3A_241, %dma_start3A_242] : memref<100000x128xf32, #tpu.memory_space<hbm>> -> memref<100000x128xf32, #tpu.memory_space<hbm>>
        tpu.enqueue_indirect_dma source(%dma_start3A_243 : memref<100000x128xf32, #tpu.memory_space<hbm>>) target(%arg7 : memref<128x128xf32, #tpu.memory_space<vmem>>) offsets(%dma_start3A_240 : memref<128xi32, #tpu.memory_space<vmem>>) semaphore(%arg12 : memref<!tpu.dma_semaphore, #tpu.memory_space<semaphore_mem>>)
      } else {
      }
      %mul3A_199 = arith.constant 5 : i32
      %mul3A_200 = arith.muli %scan3A_47, %mul3A_199 : i32
      %add3A_201 = arith.constant 4 : i32
      %add3A_202 = arith.addi %mul3A_200, %add3A_201 : i32
      %dma_wait3A_203 = arith.constant 0 : i32
      %dma_wait3A_204 = arith.constant 0 : i32
      %dma_wait3A_205 = tpu.memref_slice %arg5[%dma_wait3A_203, %dma_wait3A_204] : memref<200x128xi32, #tpu.memory_space<vmem>> -> memref<1x128xi32, #tpu.memory_space<vmem>>
      %dma_wait3A_206 = tpu.memref_squeeze %dma_wait3A_205 : memref<1x128xi32, #tpu.memory_space<vmem>> -> memref<128xi32, #tpu.memory_space<vmem>>
      %dma_wait3A_207 = arith.constant 0 : i32
      %dma_wait3A_208 = arith.constant 0 : i32
      %dma_wait3A_209 = tpu.memref_slice %arg3[%dma_wait3A_207, %dma_wait3A_208] : memref<100000x128xf32, #tpu.memory_space<hbm>> -> memref<100000x128xf32, #tpu.memory_space<hbm>>
      tpu.wait_indirect_dma semaphore(%arg15 : memref<!tpu.dma_semaphore, #tpu.memory_space<semaphore_mem>>) src(%dma_wait3A_209 : memref<100000x128xf32, #tpu.memory_space<hbm>>) dst(%arg10 : memref<128x128xf32, #tpu.memory_space<vmem>>)
      %scan3A_210 = arith.constant 0 : i32
      %scan3A_211 = arith.constant 0 : i32
      %scan3A_212 = arith.constant 128 : i32
      %scan3A_213 = arith.addi %scan3A_211, %scan3A_212 : i32
      %scan3A_214 = arith.constant 1 : i32
      scf.for %scan3A_238 = %scan3A_211 to %scan3A_213 step %scan3A_214  : i32 {
        %get3A = arith.index_cast %scan3A_238 : i32 to index
        %get3A_239 = arith.constant 0 : index
        %get3A_240 = tpu.vector_load %arg10[%get3A, %get3A_239] {strides = array<i32>} : memref<128x128xf32, #tpu.memory_space<vmem>>, vector<1x16xf32>,
        %get3A_241 = vector.shape_cast %get3A_240 : vector<1x16xf32> to vector<16xf32>
        %mul3A_242 = arith.constant 11.3137083 : f32
        %mul3A_243 = vector.broadcast %mul3A_242 : f32 to vector<16xf32>
        %mul3A_244 = arith.mulf %get3A_241, %mul3A_243 : vector<16xf32>
        %swap3A = arith.index_cast %scan3A_238 : i32 to index
        %swap3A_245 = arith.constant 0 : index
        %swap3A_246 = tpu.vector_load %arg10[%swap3A, %swap3A_245] {strides = array<i32>} : memref<128x128xf32, #tpu.memory_space<vmem>>, vector<1x16xf32>,
        %swap3A_247 = vector.shape_cast %swap3A_246 : vector<1x16xf32> to vector<16xf32>
        %swap3A_248 = vector.shape_cast %mul3A_244 : vector<16xf32> to vector<1x16xf32>
        tpu.vector_store %arg10[%swap3A, %swap3A_245], %swap3A_248 {strides = array<i32>} : memref<128x128xf32, #tpu.memory_space<vmem>>, vector<1x16xf32>,
        %get3A_249 = arith.index_cast %scan3A_238 : i32 to index
        %get3A_250 = arith.constant 16 : index
        %get3A_251 = tpu.vector_load %arg10[%get3A_249, %get3A_250] {strides = array<i32>} : memref<128x128xf32, #tpu.memory_space<vmem>>, vector<1x16xf32>,
        %get3A_252 = vector.shape_cast %get3A_251 : vector<1x16xf32> to vector<16xf32>
        %mul3A_253 = arith.constant 11.3137083 : f32
        %mul3A_254 = vector.broadcast %mul3A_253 : f32 to vector<16xf32>
        %mul3A_255 = arith.mulf %get3A_252, %mul3A_254 : vector<16xf32>
        %swap3A_256 = arith.index_cast %scan3A_238 : i32 to index
        %swap3A_257 = arith.constant 16 : index
        %swap3A_258 = tpu.vector_load %arg10[%swap3A_256, %swap3A_257] {strides = array<i32>} : memref<128x128xf32, #tpu.memory_space<vmem>>, vector<1x16xf32>,
        %swap3A_259 = vector.shape_cast %swap3A_258 : vector<1x16xf32> to vector<16xf32>
        %swap3A_260 = vector.shape_cast %mul3A_255 : vector<16xf32> to vector<1x16xf32>
        tpu.vector_store %arg10[%swap3A_256, %swap3A_257], %swap3A_260 {strides = array<i32>} : memref<128x128xf32, #tpu.memory_space<vmem>>, vector<1x16xf32>,
        %get3A_261 = arith.index_cast %scan3A_238 : i32 to index
        %get3A_262 = arith.constant 32 : index
        %get3A_263 = tpu.vector_load %arg10[%get3A_261, %get3A_262] {strides = array<i32>} : memref<128x128xf32, #tpu.memory_space<vmem>>, vector<1x16xf32>,
        %get3A_264 = vector.shape_cast %get3A_263 : vector<1x16xf32> to vector<16xf32>
        %mul3A_265 = arith.constant 11.3137083 : f32
        %mul3A_266 = vector.broadcast %mul3A_265 : f32 to vector<16xf32>
        %mul3A_267 = arith.mulf %get3A_264, %mul3A_266 : vector<16xf32>
        %swap3A_268 = arith.index_cast %scan3A_238 : i32 to index
        %swap3A_269 = arith.constant 32 : index
        %swap3A_270 = tpu.vector_load %arg10[%swap3A_268, %swap3A_269] {strides = array<i32>} : memref<128x128xf32, #tpu.memory_space<vmem>>, vector<1x16xf32>,
        %swap3A_271 = vector.shape_cast %swap3A_270 : vector<1x16xf32> to vector<16xf32>
        %swap3A_272 = vector.shape_cast %mul3A_267 : vector<16xf32> to vector<1x16xf32>
        tpu.vector_store %arg10[%swap3A_268, %swap3A_269], %swap3A_272 {strides = array<i32>} : memref<128x128xf32, #tpu.memory_space<vmem>>, vector<1x16xf32>,
        %get3A_273 = arith.index_cast %scan3A_238 : i32 to index
        %get3A_274 = arith.constant 48 : index
        %get3A_275 = tpu.vector_load %arg10[%get3A_273, %get3A_274] {strides = array<i32>} : memref<128x128xf32, #tpu.memory_space<vmem>>, vector<1x16xf32>,
        %get3A_276 = vector.shape_cast %get3A_275 : vector<1x16xf32> to vector<16xf32>
        %mul3A_277 = arith.constant 11.3137083 : f32
        %mul3A_278 = vector.broadcast %mul3A_277 : f32 to vector<16xf32>
        %mul3A_279 = arith.mulf %get3A_276, %mul3A_278 : vector<16xf32>
        %swap3A_280 = arith.index_cast %scan3A_238 : i32 to index
        %swap3A_281 = arith.constant 48 : index
        %swap3A_282 = tpu.vector_load %arg10[%swap3A_280, %swap3A_281] {strides = array<i32>} : memref<128x128xf32, #tpu.memory_space<vmem>>, vector<1x16xf32>,
        %swap3A_283 = vector.shape_cast %swap3A_282 : vector<1x16xf32> to vector<16xf32>
        %swap3A_284 = vector.shape_cast %mul3A_279 : vector<16xf32> to vector<1x16xf32>
        tpu.vector_store %arg10[%swap3A_280, %swap3A_281], %swap3A_284 {strides = array<i32>} : memref<128x128xf32, #tpu.memory_space<vmem>>, vector<1x16xf32>,
        %get3A_285 = arith.index_cast %scan3A_238 : i32 to index
        %get3A_286 = arith.constant 64 : index
        %get3A_287 = tpu.vector_load %arg10[%get3A_285, %get3A_286] {strides = array<i32>} : memref<128x128xf32, #tpu.memory_space<vmem>>, vector<1x16xf32>,
        %get3A_288 = vector.shape_cast %get3A_287 : vector<1x16xf32> to vector<16xf32>
        %mul3A_289 = arith.constant 11.3137083 : f32
        %mul3A_290 = vector.broadcast %mul3A_289 : f32 to vector<16xf32>
        %mul3A_291 = arith.mulf %get3A_288, %mul3A_290 : vector<16xf32>
        %swap3A_292 = arith.index_cast %scan3A_238 : i32 to index
        %swap3A_293 = arith.constant 64 : index
        %swap3A_294 = tpu.vector_load %arg10[%swap3A_292, %swap3A_293] {strides = array<i32>} : memref<128x128xf32, #tpu.memory_space<vmem>>, vector<1x16xf32>,
        %swap3A_295 = vector.shape_cast %swap3A_294 : vector<1x16xf32> to vector<16xf32>
        %swap3A_296 = vector.shape_cast %mul3A_291 : vector<16xf32> to vector<1x16xf32>
        tpu.vector_store %arg10[%swap3A_292, %swap3A_293], %swap3A_296 {strides = array<i32>} : memref<128x128xf32, #tpu.memory_space<vmem>>, vector<1x16xf32>,
        %get3A_297 = arith.index_cast %scan3A_238 : i32 to index
        %get3A_298 = arith.constant 80 : index
        %get3A_299 = tpu.vector_load %arg10[%get3A_297, %get3A_298] {strides = array<i32>} : memref<128x128xf32, #tpu.memory_space<vmem>>, vector<1x16xf32>,
        %get3A_300 = vector.shape_cast %get3A_299 : vector<1x16xf32> to vector<16xf32>
        %mul3A_301 = arith.constant 11.3137083 : f32
        %mul3A_302 = vector.broadcast %mul3A_301 : f32 to vector<16xf32>
        %mul3A_303 = arith.mulf %get3A_300, %mul3A_302 : vector<16xf32>
        %swap3A_304 = arith.index_cast %scan3A_238 : i32 to index
        %swap3A_305 = arith.constant 80 : index
        %swap3A_306 = tpu.vector_load %arg10[%swap3A_304, %swap3A_305] {strides = array<i32>} : memref<128x128xf32, #tpu.memory_space<vmem>>, vector<1x16xf32>,
        %swap3A_307 = vector.shape_cast %swap3A_306 : vector<1x16xf32> to vector<16xf32>
        %swap3A_308 = vector.shape_cast %mul3A_303 : vector<16xf32> to vector<1x16xf32>
        tpu.vector_store %arg10[%swap3A_304, %swap3A_305], %swap3A_308 {strides = array<i32>} : memref<128x128xf32, #tpu.memory_space<vmem>>, vector<1x16xf32>,
        %get3A_309 = arith.index_cast %scan3A_238 : i32 to index
        %get3A_310 = arith.constant 96 : index
        %get3A_311 = tpu.vector_load %arg10[%get3A_309, %get3A_310] {strides = array<i32>} : memref<128x128xf32, #tpu.memory_space<vmem>>, vector<1x16xf32>,
        %get3A_312 = vector.shape_cast %get3A_311 : vector<1x16xf32> to vector<16xf32>
        %mul3A_313 = arith.constant 11.3137083 : f32
        %mul3A_314 = vector.broadcast %mul3A_313 : f32 to vector<16xf32>
        %mul3A_315 = arith.mulf %get3A_312, %mul3A_314 : vector<16xf32>
        %swap3A_316 = arith.index_cast %scan3A_238 : i32 to index
        %swap3A_317 = arith.constant 96 : index
        %swap3A_318 = tpu.vector_load %arg10[%swap3A_316, %swap3A_317] {strides = array<i32>} : memref<128x128xf32, #tpu.memory_space<vmem>>, vector<1x16xf32>,
        %swap3A_319 = vector.shape_cast %swap3A_318 : vector<1x16xf32> to vector<16xf32>
        %swap3A_320 = vector.shape_cast %mul3A_315 : vector<16xf32> to vector<1x16xf32>
        tpu.vector_store %arg10[%swap3A_316, %swap3A_317], %swap3A_320 {strides = array<i32>} : memref<128x128xf32, #tpu.memory_space<vmem>>, vector<1x16xf32>,
        %get3A_321 = arith.index_cast %scan3A_238 : i32 to index
        %get3A_322 = arith.constant 112 : index
        %get3A_323 = tpu.vector_load %arg10[%get3A_321, %get3A_322] {strides = array<i32>} : memref<128x128xf32, #tpu.memory_space<vmem>>, vector<1x16xf32>,
        %get3A_324 = vector.shape_cast %get3A_323 : vector<1x16xf32> to vector<16xf32>
        %mul3A_325 = arith.constant 11.3137083 : f32
        %mul3A_326 = vector.broadcast %mul3A_325 : f32 to vector<16xf32>
        %mul3A_327 = arith.mulf %get3A_324, %mul3A_326 : vector<16xf32>
        %swap3A_328 = arith.index_cast %scan3A_238 : i32 to index
        %swap3A_329 = arith.constant 112 : index
        %swap3A_330 = tpu.vector_load %arg10[%swap3A_328, %swap3A_329] {strides = array<i32>} : memref<128x128xf32, #tpu.memory_space<vmem>>, vector<1x16xf32>,
        %swap3A_331 = vector.shape_cast %swap3A_330 : vector<1x16xf32> to vector<16xf32>
        %swap3A_332 = vector.shape_cast %mul3A_327 : vector<16xf32> to vector<1x16xf32>
        tpu.vector_store %arg10[%swap3A_328, %swap3A_329], %swap3A_332 {strides = array<i32>} : memref<128x128xf32, #tpu.memory_space<vmem>>, vector<1x16xf32>,
      }
      %scan3A_215 = arith.constant 128 : i32
      %mul3A_216 = arith.constant 128 : i32
      %mul3A_217 = arith.muli %add3A_202, %mul3A_216 : i32
      %add3A_218 = arith.addi %mul3A_2, %mul3A_217 : i32
      %dma_start3A_219 = arith.constant 0 : i32
      %dma_start3A_220 = tpu.memref_slice %arg4[%add3A_218, %dma_start3A_219] : memref<819200x128xf32, #tpu.memory_space<hbm>> -> memref<128x128xf32, #tpu.memory_space<hbm>>
      %dma_start3A_221 = arith.constant 0 : i32
      %dma_start3A_222 = tpu.memref_slice %arg4[%add3A_218, %dma_start3A_221] : memref<819200x128xf32, #tpu.memory_space<hbm>> -> memref<128x128xf32, #tpu.memory_space<hbm>>
      tpu.enqueue_dma source(%arg10 : memref<128x128xf32, #tpu.memory_space<vmem>>) target(%dma_start3A_222 : memref<128x128xf32, #tpu.memory_space<hbm>>) target_semaphore(%arg20 : memref<!tpu.dma_semaphore, #tpu.memory_space<semaphore_mem>>)
      %add3A_223 = arith.constant 3 : i32
      %add3A_224 = arith.addi %add3A_202, %add3A_223 : i32
      %lt3A_225 = arith.constant 200 : i32
      %lt3A_226 = arith.cmpi slt, %add3A_224, %lt3A_225 : i32
      %ge3A_227 = arith.constant 5 : i32
      %ge3A_228 = arith.cmpi sge, %add3A_224, %ge3A_227 : i32
      %and3A_229 = arith.andi %lt3A_226, %ge3A_228 : i1
      %convert_element_type3A_230 = arith.extui %and3A_229 : i1 to i32
      %cond3A_231 = arith.constant 0 : i32
      %cond3A_232 = arith.cmpi ne, %convert_element_type3A_230, %cond3A_231 : i32
      scf.if %cond3A_232 {
        %dma_wait3A_238 = arith.constant 0 : i32
        %dma_wait3A_239 = tpu.memref_slice %arg4[%mul3A_2, %dma_wait3A_238] : memref<819200x128xf32, #tpu.memory_space<hbm>> -> memref<128x128xf32, #tpu.memory_space<hbm>>
        %dma_wait3A_240 = arith.constant 0 : i32
        %dma_wait3A_241 = tpu.memref_slice %arg4[%mul3A_2, %dma_wait3A_240] : memref<819200x128xf32, #tpu.memory_space<hbm>> -> memref<128x128xf32, #tpu.memory_space<hbm>>
        tpu.wait_dma2 semaphore(%arg18 : memref<!tpu.dma_semaphore, #tpu.memory_space<semaphore_mem>>) src(%arg8 : memref<128x128xf32, #tpu.memory_space<vmem>>) dst(%dma_wait3A_241 : memref<128x128xf32, #tpu.memory_space<hbm>>)
      } else {
      }
      %lt3A_233 = arith.constant 200 : i32
      %lt3A_234 = arith.cmpi slt, %add3A_224, %lt3A_233 : i32
      %convert_element_type3A_235 = arith.extui %lt3A_234 : i1 to i32
      %cond3A_236 = arith.constant 0 : i32
      %cond3A_237 = arith.cmpi ne, %convert_element_type3A_235, %cond3A_236 : i32
      scf.if %cond3A_237 {
        %dma_start3A_238 = arith.constant 0 : i32
        %dma_start3A_239 = tpu.memref_slice %arg5[%add3A_224, %dma_start3A_238] : memref<200x128xi32, #tpu.memory_space<vmem>> -> memref<1x128xi32, #tpu.memory_space<vmem>>
        %dma_start3A_240 = tpu.memref_squeeze %dma_start3A_239 : memref<1x128xi32, #tpu.memory_space<vmem>> -> memref<128xi32, #tpu.memory_space<vmem>>
        %dma_start3A_241 = arith.constant 0 : i32
        %dma_start3A_242 = arith.constant 0 : i32
        %dma_start3A_243 = tpu.memref_slice %arg3[%dma_start3A_241, %dma_start3A_242] : memref<100000x128xf32, #tpu.memory_space<hbm>> -> memref<100000x128xf32, #tpu.memory_space<hbm>>
        tpu.enqueue_indirect_dma source(%dma_start3A_243 : memref<100000x128xf32, #tpu.memory_space<hbm>>) target(%arg8 : memref<128x128xf32, #tpu.memory_space<vmem>>) offsets(%dma_start3A_240 : memref<128xi32, #tpu.memory_space<vmem>>) semaphore(%arg13 : memref<!tpu.dma_semaphore, #tpu.memory_space<semaphore_mem>>)
      } else {
      }
    }
    %scan3A_27 = arith.constant 40 : i32
    %dma_wait3A = arith.constant 0 : i32
    %dma_wait3A_28 = tpu.memref_slice %arg4[%mul3A_2, %dma_wait3A] : memref<819200x128xf32, #tpu.memory_space<hbm>> -> memref<128x128xf32, #tpu.memory_space<hbm>>
    %dma_wait3A_29 = arith.constant 0 : i32
    %dma_wait3A_30 = tpu.memref_slice %arg4[%mul3A_2, %dma_wait3A_29] : memref<819200x128xf32, #tpu.memory_space<hbm>> -> memref<128x128xf32, #tpu.memory_space<hbm>>
    tpu.wait_dma2 semaphore(%arg16 : memref<!tpu.dma_semaphore, #tpu.memory_space<semaphore_mem>>) src(%arg6 : memref<128x128xf32, #tpu.memory_space<vmem>>) dst(%dma_wait3A_30 : memref<128x128xf32, #tpu.memory_space<hbm>>)
    %dma_wait3A_31 = arith.constant 0 : i32
    %dma_wait3A_32 = tpu.memref_slice %arg4[%mul3A_2, %dma_wait3A_31] : memref<819200x128xf32, #tpu.memory_space<hbm>> -> memref<128x128xf32, #tpu.memory_space<hbm>>
    %dma_wait3A_33 = arith.constant 0 : i32
    %dma_wait3A_34 = tpu.memref_slice %arg4[%mul3A_2, %dma_wait3A_33] : memref<819200x128xf32, #tpu.memory_space<hbm>> -> memref<128x128xf32, #tpu.memory_space<hbm>>
    tpu.wait_dma2 semaphore(%arg17 : memref<!tpu.dma_semaphore, #tpu.memory_space<semaphore_mem>>) src(%arg7 : memref<128x128xf32, #tpu.memory_space<vmem>>) dst(%dma_wait3A_34 : memref<128x128xf32, #tpu.memory_space<hbm>>)
    %dma_wait3A_35 = arith.constant 0 : i32
    %dma_wait3A_36 = tpu.memref_slice %arg4[%mul3A_2, %dma_wait3A_35] : memref<819200x128xf32, #tpu.memory_space<hbm>> -> memref<128x128xf32, #tpu.memory_space<hbm>>
    %dma_wait3A_37 = arith.constant 0 : i32
    %dma_wait3A_38 = tpu.memref_slice %arg4[%mul3A_2, %dma_wait3A_37] : memref<819200x128xf32, #tpu.memory_space<hbm>> -> memref<128x128xf32, #tpu.memory_space<hbm>>
    tpu.wait_dma2 semaphore(%arg18 : memref<!tpu.dma_semaphore, #tpu.memory_space<semaphore_mem>>) src(%arg8 : memref<128x128xf32, #tpu.memory_space<vmem>>) dst(%dma_wait3A_38 : memref<128x128xf32, #tpu.memory_space<hbm>>)
    %dma_wait3A_39 = arith.constant 0 : i32
    %dma_wait3A_40 = tpu.memref_slice %arg4[%mul3A_2, %dma_wait3A_39] : memref<819200x128xf32, #tpu.memory_space<hbm>> -> memref<128x128xf32, #tpu.memory_space<hbm>>
    %dma_wait3A_41 = arith.constant 0 : i32
    %dma_wait3A_42 = tpu.memref_slice %arg4[%mul3A_2, %dma_wait3A_41] : memref<819200x128xf32, #tpu.memory_space<hbm>> -> memref<128x128xf32, #tpu.memory_space<hbm>>
    tpu.wait_dma2 semaphore(%arg19 : memref<!tpu.dma_semaphore, #tpu.memory_space<semaphore_mem>>) src(%arg9 : memref<128x128xf32, #tpu.memory_space<vmem>>) dst(%dma_wait3A_42 : memref<128x128xf32, #tpu.memory_space<hbm>>)
    %dma_wait3A_43 = arith.constant 0 : i32
    %dma_wait3A_44 = tpu.memref_slice %arg4[%mul3A_2, %dma_wait3A_43] : memref<819200x128xf32, #tpu.memory_space<hbm>> -> memref<128x128xf32, #tpu.memory_space<hbm>>
    %dma_wait3A_45 = arith.constant 0 : i32
    %dma_wait3A_46 = tpu.memref_slice %arg4[%mul3A_2, %dma_wait3A_45] : memref<819200x128xf32, #tpu.memory_space<hbm>> -> memref<128x128xf32, #tpu.memory_space<hbm>>
    tpu.wait_dma2 semaphore(%arg20 : memref<!tpu.dma_semaphore, #tpu.memory_space<semaphore_mem>>) src(%arg10 : memref<128x128xf32, #tpu.memory_space<vmem>>) dst(%dma_wait3A_46 : memref<128x128xf32, #tpu.memory_space<hbm>>)
    return
  }
}

</mosaic_0001>

<sc_bundles>
// kernel: kernel.3.cloned.1.call-start
scs
__scs_entry_jumppad:
0x0: {  	(pc) =	sbr.rel $0x88, $3  }
0x1: {  	(tag) =	ssettag $0x0;
	lr =	simm.s32 $0x1  }
0x2: {  	[smem:$0x3F9F] =	sst lr;
	_ =	strace $0xD0000000  }
0x3: {  	_ = 	snop  }
0x4: {  	_ = 	snop  }
0x5: {  	_ = 	snop  }
0x6: {  	_ = 	snop  }
0x7: {  	_ = 	snop  }
__scs_overlays_trampoline_lowered:
0x8: {  	[smem:$0x3FAE] =	sst s0  }
0x9: {  	[smem:$0x3FAF] =	sst s1  }
0xa: {  	[smem:$0x3FB0] =	sst s2  }
0xb: {  	[smem:$0x3FB1] =	sst s3  }
0xc: {  	[smem:$0x3FB2] =	sst s4  }
0xd: {  	[smem:$0x3FB3] =	sst s5  }
0xe: {  	[smem:$0x3FB4] =	sst s6  }
0xf: {  	[smem:$0x3FB5] =	sst s7  }
0x10: {  	[smem:$0x3FB6] =	sst s8  }
0x11: {  	[smem:$0x3FB7] =	sst s9;
	s0 =	simm.s32 @!p0 $0x0  }
0x12: {  	s1 =	sld [smem:$0x3F9D];
	s0 =	simm.s32 @p0 $0x1  }
0x13: {  	[smem:$0x3FB8] =	sst s0;
	s0 =	simm.s32 @!p1 $0x0  }
0x14: {  	s2 =	sld [smem:$0x3F9C];
	s0 =	simm.s32 @p1 $0x1  }
0x15: {  	[smem:$0x3FB9] =	sst s0;
	s0 =	simm.s32 @!p2 $0x0  }
0x16: {  	s3 =	sld [smem:$0x3FDB];
	s0 =	simm.s32 @p2 $0x1  }
0x17: {  	s4 =	simm.s32 $0x1BF5;
	[smem:$0x3FBB] =	sst s0  }
0x18: {  	s0 =	sld [smem:$0x3F9E];
	_ =	swait.ge [sflag:s4], $0x0  }
0x19: {  	s7 =	sld [smem:$0x3F9F]  }
0x1a: {  	s8 =	sadd.s32 $0xFFFFE003, lr  }
0x1b: {  	s9 =	sadd.s32 $0xFFFFFEF7, lr;
	s5 =	simm.s32 $0xFFFFFFFF;
	p2 =	slt.u32 s8, $0xFFFFF086  }
0x1c: {  	p1 =	slt.u32 s9, $0xF7A;
	s5 =	simm.s32 @!p2 $0x0  }
0x1d: {  	s5 =	simm.s32 @p1 $0x1;
	p0 =	seq.s32 s7, s2  }
0x1e: {  	s7 =	smul.u32 @!p0 $0xF7A, s2;
	p2 =	seq.s32 @!p0 s5, $0x0  }
0x1f: {  	s9 =	smul.u32 $0xF7A, s1;
	s8 =	simm.s32 @!p0 $0x1BF5;
	p2 =	por !p2, p0  }
0x20: {  	[sflag:s8] =	ssyncset.s32 @!p0 $0xFFFFF086;
	s6 =	sadd.s32 @!p0 s3, s7;
	s7 =	simm.s32 @!p0 $0x108  }
0x21: {  	s3 =	sadd.s32 s3, s9;
	s6 =	sadd.s32 @!p0 $0x88, s6;
	s7 =	simm.s32 @p2 $0x1082  }
0x22: {  	[simem:s7], [sflag:s8] =	dma.local @!p0 [hbm:s6], $0xF7A  }
0x23: {  	s9 =	sor.u32 $0xD0000000, s2;
	s6 =	simm.s32 $0x108;
	_ =	swait.ge @!p0 [sflag:s8], $0x0  }
0x24: {  	s3 =	sadd.s32 $0x88, s3;
	s6 =	simm.s32 @!p1 $0x1082;
	[sflag:s4] =	ssyncset.s32 $0xFFFFF086  }
0x25: {  	[simem:s6], [sflag:s4] =	dma.local [hbm:s3], $0xF7A  }
0x26: {  	[smem:$0x3F9F] =	sst s1;
	(tag) =	ssettag s2;
	_ =	strace s9  }
0x27: {  	s1 =	sld [smem:$0x3FAF]  }
0x28: {  	s2 =	sld [smem:$0x3FB0]  }
0x29: {  	s4 =	sld [smem:$0x3FB2]  }
0x2a: {  	p0 =	seq.s32 s5, $0x0;
	s5 =	sld [smem:$0x3FB3]  }
0x2b: {  	s6 =	sld [smem:$0x3FB4]  }
0x2c: {  	s7 =	sld [smem:$0x3FB5]  }
0x2d: {  	s3 =	simm.s32 $0x108;
	s8 =	sld [smem:$0x3FB6]  }
0x2e: {  	s3 =	simm.s32 @!p0 $0x1082;
	s9 =	sld [smem:$0x3FB7]  }
0x2f: {  	lr =	sadd.s32 s0, s3;
	s0 =	sld [smem:$0x3FAE]  }
0x30: {  	s3 =	sld [smem:$0x3FB1]  }
0x31: {  	[smem:$0x3FBA] =	sst s10  }
0x32: {  	s10 =	sld [smem:$0x3FB8];
	_ =	sdelay $0x3  }
0x33: {  	p0 =	seq.s32 s10, $0x1;
	s10 =	sld [smem:$0x3FBA];
	_ =	sdelay $0x3  }
0x34: {  	[smem:$0x3FBA] =	sst s10  }
0x35: {  	s10 =	sld [smem:$0x3FB9];
	_ =	sdelay $0x3  }
0x36: {  	p1 =	seq.s32 s10, $0x1;
	s10 =	sld [smem:$0x3FBA];
	_ =	sdelay $0x3  }
0x37: {  	[smem:$0x3FBA] =	sst s10  }
0x38: {  	s10 =	sld [smem:$0x3FBB]  }
0x39: {  	_ = 	snop;
	(pc) =	sbr.ind lr, $3  }
0x3a: {  	_ = 	snop  }
0x3b: {  	_ = 	snop  }
0x3c: {  	p2 =	seq.s32 s10, $0x1;
	s10 =	sld [smem:$0x3FBA]  }
0x3d: {  	_ =	shalt  }
0x3e: {  	_ =	shalt  }
0x3f: {  	_ =	shalt  }
0x40: {  	_ =	shalt  }
0x41: {  	_ =	shalt  }
0x42: {  	_ =	shalt  }
0x43: {  	_ =	shalt  }
0x44: {  	_ =	shalt  }
0x45: {  	_ =	shalt  }
0x46: {  	_ =	shalt  }
0x47: {  	_ =	shalt  }
0x48: {  	_ =	shalt  }
0x49: {  	_ =	shalt  }
0x4a: {  	_ =	shalt  }
0x4b: {  	_ =	shalt  }
0x4c: {  	_ =	shalt  }
0x4d: {  	_ =	shalt  }
0x4e: {  	_ =	shalt  }
0x4f: {  	_ =	shalt  }
0x50: {  	_ =	shalt  }
0x51: {  	_ =	shalt  }
0x52: {  	_ =	shalt  }
0x53: {  	_ =	shalt  }
0x54: {  	_ =	shalt  }
0x55: {  	_ =	shalt  }
0x56: {  	_ =	shalt  }
0x57: {  	_ =	shalt  }
0x58: {  	_ =	shalt  }
0x59: {  	_ =	shalt  }
0x5a: {  	_ =	shalt  }
0x5b: {  	_ =	shalt  }
0x5c: {  	_ =	shalt  }
0x5d: {  	_ =	shalt  }
0x5e: {  	_ =	shalt  }
0x5f: {  	_ =	shalt  }
0x60: {  	_ =	shalt  }
0x61: {  	_ =	shalt  }
0x62: {  	_ =	shalt  }
0x63: {  	_ =	shalt  }
0x64: {  	_ =	shalt  }
0x65: {  	_ =	shalt  }
0x66: {  	_ =	shalt  }
0x67: {  	_ =	shalt  }
0x68: {  	_ =	shalt  }
0x69: {  	_ =	shalt  }
0x6a: {  	_ =	shalt  }
0x6b: {  	_ =	shalt  }
0x6c: {  	_ =	shalt  }
0x6d: {  	_ =	shalt  }
0x6e: {  	_ =	shalt  }
0x6f: {  	_ =	shalt  }
0x70: {  	_ =	shalt  }
0x71: {  	_ =	shalt  }
0x72: {  	_ =	shalt  }
0x73: {  	_ =	shalt  }
0x74: {  	_ =	shalt  }
0x75: {  	_ =	shalt  }
0x76: {  	_ =	shalt  }
0x77: {  	_ =	shalt  }
0x78: {  	_ =	shalt  }
0x79: {  	_ =	shalt  }
0x7a: {  	_ =	shalt  }
0x7b: {  	_ =	shalt  }
0x7c: {  	_ =	shalt  }
0x7d: {  	_ =	shalt  }
0x7e: {  	_ =	shalt  }
0x7f: {  	_ =	shalt  }
0x80: {  	_ =	shalt  }
0x81: {  	_ =	shalt  }
0x82: {  	_ =	shalt  }
0x83: {  	_ =	shalt  }
0x84: {  	_ =	shalt  }
0x85: {  	_ =	shalt  }
0x86: {  	_ =	shalt  }
0x87: {  	_ =	shalt  }
.Lfunc_end0:
.L_simem_size_0:
called_computation_lowered:
.L_overlay_start_0:
0x88: {  	s2 =	sld [smem:$0x3FD9]  }
0x89: {  	s3 =	sld [smem:$0x3FFE];
	_ =	sdelay $0x1  }
0x8a: {  	s1 =	srdreg.scid  }
0x8b: {  	s0 =	sand.u32 $0x1, s1  }
0x8c: {  	s17 =	sshll.u32 s0, $0xA;
	s2 =	sadd.s32 s3, s2  }
0x8d: {  	s2 =	sadd.s32 s2, s17  }
0x8e: {  	[smem:$0x3FC6] =	sst s2  }
0x8f: {  	_ = 	snop  }
0x90: {  	s2 =	sld [smem:$0x3FC8]  }
0x91: {  	s18 =	sld [smem:$0x3FD0];
	(tm) =	ssettm $0x1  }
0x92: {  	s4 =	sld [smem:$0x3FFB];
	_ =	sdelay $0x3  }
0x93: {  	_ =	strace s4  }
0x94: {  	s4 =	sld [smem:$0x3FFC];
	_ =	sdelay $0x3  }
0x95: {  	_ =	strace s4  }
0x96: {  	s4 =	sld [smem:$0x3FFD];
	_ =	sdelay $0x3  }
0x97: {  	_ =	strace s4  }
0x98: {  	_ =	strace $0x8FFFFFFF  }
0x99: {  	s19 =	sld [smem:$0x3FDB];
	_ =	sdelay $0x1  }
0x9a: {  	s5 =	simm.s32 $_scs_section_size  }
0x9b: {  	s6 =	simm.s32 $_size__tile_overlayer_lowered;
	s7 =	simm.s32 $_tile_overlayer_lowered  }
0x9c: {  	s22 =	simm.s32 $0x1BFF;
	s21 =	sshll.u32 s7, $0x1;
	s4 =	sadd.s32 s5, s19  }
0x9d: {  	s8 =	simm.s32 $0x0;
	s20 =	sshll.u32 s6, $0x1;
	s6 =	sadd.s32 s21, s4  }
0x9e: {  	[timem:s8], [sflag:s22] =	dma.local [hbm:s6], s20  }
0x9f: {  	_ =	swait.ge [sflag:s22], s20  }
0xa0: {  	s5 =	ssub.s32 $0x0, s20;
	[sflag:s22] =	ssyncset.done $0x0  }
0xa1: {  	[sflag:s22] =	ssyncadd.s32 s5;
	_ =	sdelay $0x1  }
0xa2: {  	s23 =	simm.s32 $0x1B8B  }
0xa3: {  	_ =	swait.ge [sflag:s23], $0x1  }
0xa4: {  	[sflag:s23] =	ssyncset.done $0x0  }
0xa5: {  	s25 =	simm.s32 $0x1B8E;
	s24 =	sld [smem:$0x3FFE];
	[sflag:s23] =	ssyncadd.s32 $0xFFFFFFFF  }
0xa6: {  	s26 =	simm.s32 $execute0_lowered;
	[smem:$0x3FD2] =	sst s25  }
0xa7: {  	s6 =	sshll.u32 s26, $0x1;
	_ =	strace $0x80000046;
	[dreg:$0x1] =	wrdreg $0xFFFFFFFF  }
0xa8: {  	s28 =	simm.s32 $_size_execute0_lowered;
	s4 =	sadd.s32 s4, s6;
	[dreg:$0x0] =	wrdreg $0x0  }
0xa9: {  	s6 =	sshll.u32 s28, $0x1;
	[dreg:$0x2] =	wrdreg s4  }
0xaa: {  	[dreg:$0x3] =	wrdreg s6  }
0xab: {  	[dreg:$0x4] =	wrdreg $0xC0  }
0xac: {  	_ =	task [dreg:s8], $0x5FFFF  }
0xad: {  	[dreg:$0x1] =	wrdreg $0xFFFFFFFF  }
0xae: {  	[dreg:$0x0] =	wrdreg $0x60  }
0xaf: {  	[dreg:$0x2] =	wrdreg s24  }
0xb0: {  	[dreg:$0x3] =	wrdreg s2  }
0xb1: {  	[dreg:$0x4] =	wrdreg s18  }
0xb2: {  	[dreg:$0x5] =	wrdreg $0x9  }
0xb3: {  	_ =	task.clear_ibuf [dreg:s8], $0x6FFFF;
	_ =	strace $0x90000046  }
0xb4: {  	s29 =	simm.s32 $0x9;
	_ =	strace $0x80000048  }
0xb5: {  	_ =	swait.ge [sflag:s29], $0x1  }
0xb6: {  	[sflag:s29] =	ssyncadd.s32 $0xFFFFFFFF  }
0xb7: {  	_ =	strace $0x90000048  }
0xb8: {  	_ =	sfence  }
0xb9: {  	s30 =	sld [smem:$0x0];
	_ =	sdelay $0x2  }
0xba: {  	s31 =	sshll.u32 s1, $0xD;
	s1 =	sshrl.u32 s1, $0x2  }
0xbb: {  	s3 =	sand.u32 $0x4000, s31;
	s1 =	sadd.s32 s1, s30  }
0xbc: {  	s0 =	sor.u32 s3, s0;
	s1 =	sshll.u32 s1, $0x11  }
0xbd: {  	s0 =	sor.u32 s1, s0  }
0xbe: {  	s0 =	sadd.s32 $0x8F2B, s0  }
0xbf: {  	[sflag:s0] =	ssyncadd.remote.s32 $0x1  }
0xc0: {  	_ =	sfence.sel $0xFFFF  }
0xc1: {  	[dreg:$0x0] =	wrdreg $0xFFFFFFFF;
	(pc) =	sbr.abs _section_cstart, $3  }
0xc2: {  	[dreg:$0x1] =	wrdreg $0xFFFFFFFF  }
0xc3: {  	_ =	task.clear_ibuf [dreg:s8], $0x2FFFF;
	_ =	strace $0x9FFFFFFF  }
0xc4: {  	(tm) =	ssettm $0x7FFFFFFF  }
0xc5: {  	_ =	shalt  }
tec
execute0_lowered:
.L_overlay_start_1:
0x0: {  	(tag) =	ssettag $0x1  }
0x1: {  	s0 =	srdreg.scid  }
0x2: {  	s2 =	stileid.u32;
	s1 =	rddreg [dreg:$0x0]  }
0x3: {  	s5 =	simm.s32 $0x0;
	s12 =	simm.s32 $0x80;
	s13 =	simm.s32 $0x6400  }
0x4: {  	s14 =	simm.s32 $0xA400;
	s16 =	simm.s32 $0xE400;
	s17 =	simm.s32 $0x1  }
0x5: {  	s18 =	simm.s32 $0x12400;
	s19 =	simm.s32 $0x2;
	s20 =	simm.s32 $0x16400  }
0x6: {  	s21 =	simm.s32 $0x3;
	s22 =	simm.s32 $0x4;
	s23 =	simm.s32 $0x5  }
0x7: {  	s24 =	simm.s32 $0x6;
	s25 =	simm.s32 $0x7;
	s26 =	simm.s32 $0x8  }
0x8: {  	s28 =	simm.s32 $0x9;
	s0 =	sand.u32 $0x1, s0;
	s3 =	sshll.u32 s2, $0x1  }
0x9: {  	s29 =	simm.s32 $0xA;
	s30 =	simm.s32 $0x0;
	s6 =	sor.u32 s0, s3  }
0xa: {  	s2 =	rddreg [dreg:$0x1];
	s0 =	ssub.s32 $0x2, s0;
	s4 =	smul.u32 $0x6400, s6  }
.Ltmp0:
0xb: {  	[smem:$0x7FF] =	sst s5;
	s8 =	sshrl.u32 s0, $0x1;
	(pc) =	sbr.rel .LBB2_1-.Ltmp0, $4  }
0xc: {  	s3 =	rddreg [dreg:$0x2];
	s0 =	ssub.s32 s0, s8;
	s7 =	sshrl.u32 s4, $0x3  }
0xd: {  	_ =	strace $0x80000047;
	s0 =	smax.u32 s0, $0x1;
	s1 =	sadd.s32 s7, s1  }
0xe: {  	s9 =	smul.u32 $0x320000, s6;
	[dreg:$0x5] =	wrdreg s0;
	s1 =	sadd.s32 $0x400, s1  }
0xf: {  	s8 =	sor.u32 $0x100, s4;
	s7 =	sor.u32 $0x80, s4;
	[dreg:$0x4] =	wrdreg s1  }
.LBB2_14:
0x10: {  	_ =	swait.ge [sflag:s24], $0x4000  }
0x11: {  	[sflag:s24] =	ssyncset.done $0x0  }
0x12: {  	[sflag:s24] =	ssyncadd.s32 $0xFFFFC000  }
0x13: {  	_ =	swait.ge [sflag:s25], $0x4000  }
0x14: {  	[sflag:s25] =	ssyncset.done $0x0  }
0x15: {  	[sflag:s25] =	ssyncadd.s32 $0xFFFFC000  }
0x16: {  	_ =	swait.ge [sflag:s26], $0x4000  }
0x17: {  	[sflag:s26] =	ssyncset.done $0x0  }
0x18: {  	[sflag:s26] =	ssyncadd.s32 $0xFFFFC000  }
0x19: {  	_ =	swait.ge [sflag:s28], $0x4000  }
0x1a: {  	[sflag:s28] =	ssyncset.done $0x0  }
0x1b: {  	[sflag:s28] =	ssyncadd.s32 $0xFFFFC000  }
0x1c: {  	_ =	swait.ge [sflag:s29], $0x4000  }
0x1d: {  	s30 =	sadd.s32 $0x1, s30;
	s0 =	rddreg [dreg:$0x5]  }
0x1e: {  	p0 =	sne.s32 s30, s0  }
.Ltmp1:
0x1f: {  	_ = 	snop;
	(pc) =	sbr.rel @!p0 .LBB2_15-.Ltmp1, $3  }
0x20: {  	_ =	sdelay $0x1  }
0x21: {  	[sflag:s29] =	ssyncset.done $0x0  }
0x22: {  	[sflag:s29] =	ssyncadd.s32 $0xFFFFC000  }
.LBB2_1:
0x23: {  	s0 =	rddreg [dreg:$0x4];
	s11 =	simm.s32 $0xB  }
0x24: {  	[tilespmem:s5], [sflag:$0xB] =	stream.linear.gather [hbm4b:s0+s5], $0x6400, $0x38;
	[tilespmem:$0x1A400] =	vst v63  }
0x25: {  	_ =	swait.ge [sflag:s11], $0x6400  }
0x26: {  	[sflag:s11] =	ssyncset.done $0x0  }
0x27: {  	[sflag:s11] =	ssyncadd.s32 $0xFFFF9C00  }
0x28: {  	[tilespmem:s13], [sflag:$0x1] =	stream.indirect.gather [hbm4b:s2+s12], $0x80, s5, s12, $0xb8;
	[tilespmem:$0x1A400] =	vst v63  }
0x29: {  	_ = 	snop  }
0x2a: {  	[tilespmem:s14], [sflag:$0x2] =	stream.indirect.gather [hbm4b:s2+s12], $0x80, s12, s12, $0xb8;
	[tilespmem:$0x1A400] =	vst v63  }
0x2b: {  	s15 =	simm.s32 $0x100;
	s31 =	simm.s32 $0x0  }
0x2c: {  	[tilespmem:s16], [sflag:$0x3] =	stream.indirect.gather [hbm4b:s2+s12], $0x80, s15, s12, $0xb8;
	[tilespmem:$0x1A400] =	vst v63  }
.LBB2_2:
0x2d: {  	_ =	swait.ge [sflag:s17], $0x4000  }
0x2e: {  	[sflag:s17] =	ssyncset.done $0x0  }
0x2f: {  	s0 =	simm.s32 $0x0;
	[sflag:s17] =	ssyncadd.s32 $0xFFFFC000  }
0x30: {  	v2 =	vld [tilespmem:s0+$0x6400]  }
0x31: {  	v5 =	vld [tilespmem:s0+$0x6410]  }
0x32: {  	v4 =	vld [tilespmem:s0+$0x6420]  }
0x33: {  	v3 =	vld [tilespmem:s0+$0x6430]  }
0x34: {  	v0 =	vld [tilespmem:s0+$0x6440]  }
0x35: {  	v1 =	vld [tilespmem:s0+$0x6450];
	v6 =	vmul.f32 $1.131370830e+01, v2  }
0x36: {  	s1 =	simm.s32 $0x200;
	v5 =	vmul.f32 $1.131370830e+01, v5;
	v2 =	vld [tilespmem:s0+$0x6460]  }
.LBB2_3:
0x37: {  	s6 =	sshra.s32 s1, $0x2;
	p0 =	sne.s32 s1, $0xFE00;
	[tilespmem:s0+$0x6400] =	vst v6;
	v4 =	vmul.f32 $1.131370830e+01, v4;
	v6 =	vld [tilespmem:s0+$0x6470]  }
0x38: {  	v7 =	vld [tilespmem:s6+$0x6400];
	[tilespmem:s0+$0x6410] =	vst v5;
	v3 =	vmul.f32 $1.131370830e+01, v3  }
0x39: {  	v5 =	vld [tilespmem:s6+$0x6410];
	[tilespmem:s0+$0x6420] =	vst v4;
	v0 =	vmul.f32 $1.131370830e+01, v0  }
.Ltmp2:
0x3a: {  	v4 =	vld [tilespmem:s6+$0x6420];
	[tilespmem:s0+$0x6430] =	vst v3;
	v1 =	vmul.f32 $1.131370830e+01, v1;
	(pc) =	sbr.rel @p0 .LBB2_3-.Ltmp2, $4  }
0x3b: {  	v3 =	vld [tilespmem:s6+$0x6430];
	[tilespmem:s0+$0x6440] =	vst v0;
	v2 =	vmul.f32 $1.131370830e+01, v2  }
0x3c: {  	v0 =	vld [tilespmem:s6+$0x6440];
	[tilespmem:s0+$0x6450] =	vst v1;
	v8 =	vmul.f32 $1.131370830e+01, v6  }
0x3d: {  	v6 =	vmul.f32 $1.131370830e+01, v7;
	v1 =	vld [tilespmem:s6+$0x6450];
	[tilespmem:s0+$0x6460] =	vst v2  }
0x3e: {  	s1 =	sadd.s32 $0x200, s1;
	v5 =	vmul.f32 $1.131370830e+01, v5;
	v2 =	vld [tilespmem:s6+$0x6460];
	[tilespmem:s0+$0x6470] =	vst v8;
	s0 =	smov.u32 s6  }
0x3f: {  	[tilespmem:s0+$0x6400] =	vst v6;
	v4 =	vmul.f32 $1.131370830e+01, v4;
	v6 =	vld [tilespmem:s0+$0x6470]  }
0x40: {  	[tilespmem:s0+$0x6410] =	vst v5;
	v3 =	vmul.f32 $1.131370830e+01, v3  }
0x41: {  	[tilespmem:s0+$0x6420] =	vst v4;
	v0 =	vmul.f32 $1.131370830e+01, v0  }
0x42: {  	s15 =	smul.u32 $0x280, s31;
	[tilespmem:s0+$0x6430] =	vst v3;
	v1 =	vmul.f32 $1.131370830e+01, v1  }
0x43: {  	[tilespmem:s0+$0x6440] =	vst v0;
	v0 =	vmul.f32 $1.131370830e+01, v2  }
0x44: {  	s1 =	sadd.s32 s4, s15;
	[tilespmem:s0+$0x6450] =	vst v1;
	v1 =	vmul.f32 $1.131370830e+01, v6  }
0x45: {  	s1 =	sshll.u32 s1, $0x4;
	[tilespmem:s0+$0x6460] =	vst v0  }
0x46: {  	s1 =	sadd.s32 s3, s1;
	[tilespmem:s0+$0x6470] =	vst v1;
	s0 =	smul.u32 $0x5, s31  }
0x47: {  	[hbm4b:s1+s5] =	stream.linear.scatter [tilespmem:s13], [sflag:$0x6], $0x4000, $0x38;
	[tilespmem:$0x1A400] =	vst v63  }
0x48: {  	s10 =	sadd.s32 $0xFFFFFFFE, s0  }
0x49: {  	p0 =	sgt.u32 s10, $0xC2  }
0x4a: {  	s6 =	simm.s32 @!p0 $0x9  }
0x4b: {  	s1 =	sadd.s32 $0x3, s0;
	_ =	swait.ge @!p0 [sflag:s6], $0x4000  }
0x4c: {  	s10 =	sshll.u32 s1, $0x7;
	[sflag:s6] =	ssyncset.done @!p0 $0x0  }
0x4d: {  	s11 =	sand.u32 $0x3FFFFF80, s10;
	[sflag:s6] =	ssyncadd.s32 @!p0 $0xFFFFC000  }
0x4e: {  	[tilespmem:s18], [sflag:$0x4] =	stream.indirect.gather [hbm4b:s2+s12], $0x80, s11, s12, $0xb8;
	[tilespmem:$0x1A400] =	vst v63  }
0x4f: {  	_ =	swait.ge [sflag:s19], $0x4000  }
0x50: {  	[sflag:s19] =	ssyncset.done $0x0  }
0x51: {  	s6 =	simm.s32 $0x0;
	[sflag:s19] =	ssyncadd.s32 $0xFFFFC000  }
0x52: {  	v3 =	vld [tilespmem:s6+$0xA400]  }
0x53: {  	v5 =	vld [tilespmem:s6+$0xA410]  }
0x54: {  	v4 =	vld [tilespmem:s6+$0xA420]  }
0x55: {  	v2 =	vld [tilespmem:s6+$0xA430]  }
0x56: {  	v0 =	vld [tilespmem:s6+$0xA440]  }
0x57: {  	v1 =	vld [tilespmem:s6+$0xA450];
	v6 =	vmul.f32 $1.131370830e+01, v3  }
0x58: {  	s10 =	simm.s32 $0x200;
	v5 =	vmul.f32 $1.131370830e+01, v5;
	v3 =	vld [tilespmem:s6+$0xA460]  }
.LBB2_5:
0x59: {  	s11 =	sshra.s32 s10, $0x2;
	p0 =	sne.s32 s10, $0xFE00;
	[tilespmem:s6+$0xA400] =	vst v6;
	v4 =	vmul.f32 $1.131370830e+01, v4;
	v6 =	vld [tilespmem:s6+$0xA470]  }
0x5a: {  	v7 =	vld [tilespmem:s11+$0xA400];
	[tilespmem:s6+$0xA410] =	vst v5;
	v2 =	vmul.f32 $1.131370830e+01, v2  }
0x5b: {  	v5 =	vld [tilespmem:s11+$0xA410];
	[tilespmem:s6+$0xA420] =	vst v4;
	v0 =	vmul.f32 $1.131370830e+01, v0  }
.Ltmp3:
0x5c: {  	v4 =	vld [tilespmem:s11+$0xA420];
	[tilespmem:s6+$0xA430] =	vst v2;
	v1 =	vmul.f32 $1.131370830e+01, v1;
	(pc) =	sbr.rel @p0 .LBB2_5-.Ltmp3, $4  }
0x5d: {  	v2 =	vld [tilespmem:s11+$0xA430];
	[tilespmem:s6+$0xA440] =	vst v0;
	v3 =	vmul.f32 $1.131370830e+01, v3  }
0x5e: {  	v0 =	vld [tilespmem:s11+$0xA440];
	[tilespmem:s6+$0xA450] =	vst v1;
	v8 =	vmul.f32 $1.131370830e+01, v6  }
0x5f: {  	v6 =	vmul.f32 $1.131370830e+01, v7;
	v1 =	vld [tilespmem:s11+$0xA450];
	[tilespmem:s6+$0xA460] =	vst v3  }
0x60: {  	s10 =	sadd.s32 $0x200, s10;
	v5 =	vmul.f32 $1.131370830e+01, v5;
	v3 =	vld [tilespmem:s11+$0xA460];
	[tilespmem:s6+$0xA470] =	vst v8;
	s6 =	smov.u32 s11  }
0x61: {  	[tilespmem:s6+$0xA400] =	vst v6;
	v4 =	vmul.f32 $1.131370830e+01, v4;
	v6 =	vld [tilespmem:s6+$0xA470]  }
0x62: {  	[tilespmem:s6+$0xA410] =	vst v5;
	v2 =	vmul.f32 $1.131370830e+01, v2  }
0x63: {  	[tilespmem:s6+$0xA420] =	vst v4;
	v0 =	vmul.f32 $1.131370830e+01, v0  }
0x64: {  	s10 =	sadd.s32 s15, s7;
	[tilespmem:s6+$0xA430] =	vst v2;
	v1 =	vmul.f32 $1.131370830e+01, v1  }
0x65: {  	s10 =	sshll.u32 s10, $0x4;
	[tilespmem:s6+$0xA440] =	vst v0;
	v0 =	vmul.f32 $1.131370830e+01, v3  }
0x66: {  	s11 =	sadd.s32 s3, s10;
	s10 =	sadd.s32 $0xFFFFFFFF, s0;
	[tilespmem:s6+$0xA450] =	vst v1;
	v1 =	vmul.f32 $1.131370830e+01, v6  }
0x67: {  	p0 =	sgt.u32 s10, $0xC2;
	[tilespmem:s6+$0xA460] =	vst v0  }
0x68: {  	[tilespmem:s6+$0xA470] =	vst v1;
	s6 =	simm.s32 @!p0 $0xA  }
0x69: {  	[hbm4b:s11+s5] =	stream.linear.scatter [tilespmem:s14], [sflag:$0x7], $0x4000, $0x38;
	[tilespmem:$0x1A400] =	vst v63  }
0x6a: {  	s0 =	sadd.s32 $0x4, s0;
	_ =	swait.ge @!p0 [sflag:s6], $0x4000  }
0x6b: {  	s11 =	sshll.u32 s0, $0x7;
	[sflag:s6] =	ssyncset.done @!p0 $0x0  }
0x6c: {  	s11 =	sand.u32 $0x3FFFFF80, s11;
	[sflag:s6] =	ssyncadd.s32 @!p0 $0xFFFFC000  }
0x6d: {  	[tilespmem:s20], [sflag:$0x5] =	stream.indirect.gather [hbm4b:s2+s12], $0x80, s11, s12, $0xb8;
	[tilespmem:$0x1A400] =	vst v63  }
0x6e: {  	_ =	swait.ge [sflag:s21], $0x4000  }
0x6f: {  	[sflag:s21] =	ssyncset.done $0x0  }
0x70: {  	s6 =	simm.s32 $0x0;
	[sflag:s21] =	ssyncadd.s32 $0xFFFFC000  }
0x71: {  	v3 =	vld [tilespmem:s6+$0xE400]  }
0x72: {  	v5 =	vld [tilespmem:s6+$0xE410]  }
0x73: {  	v4 =	vld [tilespmem:s6+$0xE420]  }
0x74: {  	v2 =	vld [tilespmem:s6+$0xE430]  }
0x75: {  	v0 =	vld [tilespmem:s6+$0xE440]  }
0x76: {  	v1 =	vld [tilespmem:s6+$0xE450];
	v6 =	vmul.f32 $1.131370830e+01, v3  }
0x77: {  	s10 =	simm.s32 $0x200;
	v5 =	vmul.f32 $1.131370830e+01, v5;
	v3 =	vld [tilespmem:s6+$0xE460]  }
.LBB2_7:
0x78: {  	s11 =	sshra.s32 s10, $0x2;
	p0 =	sne.s32 s10, $0xFE00;
	[tilespmem:s6+$0xE400] =	vst v6;
	v4 =	vmul.f32 $1.131370830e+01, v4;
	v6 =	vld [tilespmem:s6+$0xE470]  }
0x79: {  	v7 =	vld [tilespmem:s11+$0xE400];
	[tilespmem:s6+$0xE410] =	vst v5;
	v2 =	vmul.f32 $1.131370830e+01, v2  }
0x7a: {  	v5 =	vld [tilespmem:s11+$0xE410];
	[tilespmem:s6+$0xE420] =	vst v4;
	v0 =	vmul.f32 $1.131370830e+01, v0  }
.Ltmp4:
0x7b: {  	v4 =	vld [tilespmem:s11+$0xE420];
	[tilespmem:s6+$0xE430] =	vst v2;
	v1 =	vmul.f32 $1.131370830e+01, v1;
	(pc) =	sbr.rel @p0 .LBB2_7-.Ltmp4, $4  }
0x7c: {  	v2 =	vld [tilespmem:s11+$0xE430];
	[tilespmem:s6+$0xE440] =	vst v0;
	v3 =	vmul.f32 $1.131370830e+01, v3  }
0x7d: {  	v0 =	vld [tilespmem:s11+$0xE440];
	[tilespmem:s6+$0xE450] =	vst v1;
	v8 =	vmul.f32 $1.131370830e+01, v6  }
0x7e: {  	v6 =	vmul.f32 $1.131370830e+01, v7;
	v1 =	vld [tilespmem:s11+$0xE450];
	[tilespmem:s6+$0xE460] =	vst v3  }
0x7f: {  	s10 =	sadd.s32 $0x200, s10;
	v5 =	vmul.f32 $1.131370830e+01, v5;
	v3 =	vld [tilespmem:s11+$0xE460];
	[tilespmem:s6+$0xE470] =	vst v8;
	s6 =	smov.u32 s11  }
0x80: {  	[tilespmem:s6+$0xE400] =	vst v6;
	v4 =	vmul.f32 $1.131370830e+01, v4;
	v6 =	vld [tilespmem:s6+$0xE470]  }
0x81: {  	[tilespmem:s6+$0xE410] =	vst v5;
	v2 =	vmul.f32 $1.131370830e+01, v2  }
0x82: {  	[tilespmem:s6+$0xE420] =	vst v4;
	v0 =	vmul.f32 $1.131370830e+01, v0  }
0x83: {  	[tilespmem:s6+$0xE430] =	vst v2;
	v1 =	vmul.f32 $1.131370830e+01, v1  }
0x84: {  	[tilespmem:s6+$0xE440] =	vst v0;
	v0 =	vmul.f32 $1.131370830e+01, v3  }
0x85: {  	s10 =	sadd.s32 s15, s8;
	[tilespmem:s6+$0xE450] =	vst v1;
	v1 =	vmul.f32 $1.131370830e+01, v6  }
0x86: {  	p0 =	seq.s32 s31, $0x27;
	s10 =	sshll.u32 s10, $0x4;
	[tilespmem:s6+$0xE460] =	vst v0  }
0x87: {  	s15 =	sadd.s32 s3, s10;
	s10 =	smul.u32 @!p0 $0xA00, s31;
	[tilespmem:s6+$0xE470] =	vst v1;
	s6 =	simm.s32 @!p0 $0x6  }
0x88: {  	[hbm4b:s15+s5] =	stream.linear.scatter [tilespmem:s16], [sflag:$0x8], $0x4000, $0x38;
	[tilespmem:$0x1A400] =	vst v63  }
0x89: {  	_ =	swait.ge @!p0 [sflag:s6], $0x4000  }
0x8a: {  	s11 =	simm.s32 @!p0 $0x6400;
	s15 =	sshra.s32 @!p0 s10, $0x2;
	[sflag:s6] =	ssyncset.done @!p0 $0x0  }
0x8b: {  	s10 =	simm.s32 @!p0 $0x80;
	[sflag:s6] =	ssyncadd.s32 @!p0 $0xFFFFC000;
	s6 =	sadd.s32 @!p0 $0x280, s15  }
0x8c: {  	[tilespmem:s11], [sflag:$0x1] =	stream.indirect.gather @!p0 [hbm4b:s2+s10], $0x80, s6, s10, $0xb8;
	[tilespmem:$0x1A400] =	vst v63  }
0x8d: {  	_ =	swait.ge [sflag:s22], $0x4000  }
0x8e: {  	[sflag:s22] =	ssyncset.done $0x0  }
0x8f: {  	s6 =	simm.s32 $0x0;
	[sflag:s22] =	ssyncadd.s32 $0xFFFFC000  }
0x90: {  	v3 =	vld [tilespmem:s6+$0x12400]  }
0x91: {  	v5 =	vld [tilespmem:s6+$0x12410]  }
0x92: {  	v4 =	vld [tilespmem:s6+$0x12420]  }
0x93: {  	v2 =	vld [tilespmem:s6+$0x12430]  }
0x94: {  	v0 =	vld [tilespmem:s6+$0x12440]  }
0x95: {  	v1 =	vld [tilespmem:s6+$0x12450];
	v6 =	vmul.f32 $1.131370830e+01, v3  }
0x96: {  	s10 =	simm.s32 $0x200;
	v5 =	vmul.f32 $1.131370830e+01, v5;
	v3 =	vld [tilespmem:s6+$0x12460]  }
.LBB2_9:
0x97: {  	s11 =	sshra.s32 s10, $0x2;
	p1 =	sne.s32 s10, $0xFE00;
	[tilespmem:s6+$0x12400] =	vst v6;
	v4 =	vmul.f32 $1.131370830e+01, v4;
	v6 =	vld [tilespmem:s6+$0x12470]  }
0x98: {  	v7 =	vld [tilespmem:s11+$0x12400];
	[tilespmem:s6+$0x12410] =	vst v5;
	v2 =	vmul.f32 $1.131370830e+01, v2  }
0x99: {  	v5 =	vld [tilespmem:s11+$0x12410];
	[tilespmem:s6+$0x12420] =	vst v4;
	v0 =	vmul.f32 $1.131370830e+01, v0  }
.Ltmp5:
0x9a: {  	v4 =	vld [tilespmem:s11+$0x12420];
	[tilespmem:s6+$0x12430] =	vst v2;
	v1 =	vmul.f32 $1.131370830e+01, v1;
	(pc) =	sbr.rel @p1 .LBB2_9-.Ltmp5, $4  }
0x9b: {  	v2 =	vld [tilespmem:s11+$0x12430];
	[tilespmem:s6+$0x12440] =	vst v0;
	v3 =	vmul.f32 $1.131370830e+01, v3  }
0x9c: {  	v0 =	vld [tilespmem:s11+$0x12440];
	[tilespmem:s6+$0x12450] =	vst v1;
	v8 =	vmul.f32 $1.131370830e+01, v6  }
0x9d: {  	v6 =	vmul.f32 $1.131370830e+01, v7;
	v1 =	vld [tilespmem:s11+$0x12450];
	[tilespmem:s6+$0x12460] =	vst v3  }
0x9e: {  	s10 =	sadd.s32 $0x200, s10;
	v5 =	vmul.f32 $1.131370830e+01, v5;
	v3 =	vld [tilespmem:s11+$0x12460];
	[tilespmem:s6+$0x12470] =	vst v8;
	s6 =	smov.u32 s11  }
0x9f: {  	[tilespmem:s6+$0x12400] =	vst v6;
	v4 =	vmul.f32 $1.131370830e+01, v4;
	v6 =	vld [tilespmem:s6+$0x12470]  }
0xa0: {  	[tilespmem:s6+$0x12410] =	vst v5;
	v2 =	vmul.f32 $1.131370830e+01, v2  }
0xa1: {  	[tilespmem:s6+$0x12420] =	vst v4;
	v0 =	vmul.f32 $1.131370830e+01, v0  }
0xa2: {  	[tilespmem:s6+$0x12430] =	vst v2;
	v1 =	vmul.f32 $1.131370830e+01, v1  }
0xa3: {  	s1 =	sshll.u32 s1, $0xE;
	[tilespmem:s6+$0x12440] =	vst v0;
	v0 =	vmul.f32 $1.131370830e+01, v3  }
0xa4: {  	s1 =	sadd.s32 s9, s1;
	[tilespmem:s6+$0x12450] =	vst v1;
	v1 =	vmul.f32 $1.131370830e+01, v6  }
0xa5: {  	s1 =	sshrl.u32 s1, $0x3;
	[tilespmem:s6+$0x12460] =	vst v0  }
0xa6: {  	s1 =	sadd.s32 s3, s1;
	[tilespmem:s6+$0x12470] =	vst v1  }
0xa7: {  	[hbm4b:s1+s5] =	stream.linear.scatter [tilespmem:s18], [sflag:$0x9], $0x4000, $0x38;
	[tilespmem:$0x1A400] =	vst v63  }
0xa8: {  	s1 =	simm.s32 @!p0 $0x7  }
0xa9: {  	_ =	swait.ge @!p0 [sflag:s1], $0x4000  }
0xaa: {  	s10 =	simm.s32 @!p0 $0xA400;
	[sflag:s1] =	ssyncset.done @!p0 $0x0  }
0xab: {  	s6 =	simm.s32 @!p0 $0x80;
	[sflag:s1] =	ssyncadd.s32 @!p0 $0xFFFFC000;
	s1 =	sadd.s32 @!p0 $0x300, s15  }
0xac: {  	[tilespmem:s10], [sflag:$0x2] =	stream.indirect.gather @!p0 [hbm4b:s2+s6], $0x80, s1, s6, $0xb8;
	[tilespmem:$0x1A400] =	vst v63  }
0xad: {  	_ =	swait.ge [sflag:s23], $0x4000  }
0xae: {  	[sflag:s23] =	ssyncset.done $0x0  }
0xaf: {  	s1 =	simm.s32 $0x0;
	[sflag:s23] =	ssyncadd.s32 $0xFFFFC000  }
0xb0: {  	v3 =	vld [tilespmem:s1+$0x16400]  }
0xb1: {  	v5 =	vld [tilespmem:s1+$0x16410]  }
0xb2: {  	v4 =	vld [tilespmem:s1+$0x16420]  }
0xb3: {  	v2 =	vld [tilespmem:s1+$0x16430]  }
0xb4: {  	v0 =	vld [tilespmem:s1+$0x16440]  }
0xb5: {  	v1 =	vld [tilespmem:s1+$0x16450];
	v6 =	vmul.f32 $1.131370830e+01, v3  }
0xb6: {  	s6 =	simm.s32 $0x200;
	v5 =	vmul.f32 $1.131370830e+01, v5;
	v3 =	vld [tilespmem:s1+$0x16460]  }
.LBB2_11:
0xb7: {  	s10 =	sshra.s32 s6, $0x2;
	p1 =	sne.s32 s6, $0xFE00;
	[tilespmem:s1+$0x16400] =	vst v6;
	v4 =	vmul.f32 $1.131370830e+01, v4;
	v6 =	vld [tilespmem:s1+$0x16470]  }
0xb8: {  	v7 =	vld [tilespmem:s10+$0x16400];
	[tilespmem:s1+$0x16410] =	vst v5;
	v2 =	vmul.f32 $1.131370830e+01, v2  }
0xb9: {  	v5 =	vld [tilespmem:s10+$0x16410];
	[tilespmem:s1+$0x16420] =	vst v4;
	v0 =	vmul.f32 $1.131370830e+01, v0  }
.Ltmp6:
0xba: {  	v4 =	vld [tilespmem:s10+$0x16420];
	[tilespmem:s1+$0x16430] =	vst v2;
	v1 =	vmul.f32 $1.131370830e+01, v1;
	(pc) =	sbr.rel @p1 .LBB2_11-.Ltmp6, $4  }
0xbb: {  	v2 =	vld [tilespmem:s10+$0x16430];
	[tilespmem:s1+$0x16440] =	vst v0;
	v3 =	vmul.f32 $1.131370830e+01, v3  }
0xbc: {  	v0 =	vld [tilespmem:s10+$0x16440];
	[tilespmem:s1+$0x16450] =	vst v1;
	v8 =	vmul.f32 $1.131370830e+01, v6  }
0xbd: {  	v6 =	vmul.f32 $1.131370830e+01, v7;
	v1 =	vld [tilespmem:s10+$0x16450];
	[tilespmem:s1+$0x16460] =	vst v3  }
0xbe: {  	s6 =	sadd.s32 $0x200, s6;
	v5 =	vmul.f32 $1.131370830e+01, v5;
	v3 =	vld [tilespmem:s10+$0x16460];
	[tilespmem:s1+$0x16470] =	vst v8;
	s1 =	smov.u32 s10  }
0xbf: {  	[tilespmem:s1+$0x16400] =	vst v6;
	v4 =	vmul.f32 $1.131370830e+01, v4;
	v61 =	vld [tilespmem:s1+$0x16470]  }
0xc0: {  	[tilespmem:s1+$0x16410] =	vst v5;
	v2 =	vmul.f32 $1.131370830e+01, v2  }
0xc1: {  	[tilespmem:s1+$0x16420] =	vst v4;
	v0 =	vmul.f32 $1.131370830e+01, v0  }
0xc2: {  	[tilespmem:s1+$0x16430] =	vst v2;
	v1 =	vmul.f32 $1.131370830e+01, v1  }
.Ltmp7:
0xc3: {  	s0 =	sshll.u32 s0, $0xE;
	[tilespmem:s1+$0x16440] =	vst v0;
	v62 =	vmul.f32 $1.131370830e+01, v3;
	(pc) =	sbr.rel @p0 .LBB2_14-.Ltmp7, $4  }
0xc4: {  	s0 =	sadd.s32 s9, s0;
	[tilespmem:s1+$0x16450] =	vst v1;
	v63 =	vmul.f32 $1.131370830e+01, v61  }
0xc5: {  	s0 =	sshrl.u32 s0, $0x3;
	[tilespmem:s1+$0x16460] =	vst v62  }
0xc6: {  	s0 =	sadd.s32 s3, s0;
	[tilespmem:s1+$0x16470] =	vst v63  }
0xc7: {  	[hbm4b:s0+s5] =	stream.linear.scatter [tilespmem:s20], [sflag:$0xA], $0x4000, $0x38;
	[tilespmem:$0x1A400] =	vst v63  }
0xc8: {  	s0 =	smul.u32 $0xA00, s31  }
.Ltmp8:
0xc9: {  	_ = 	snop;
	(pc) =	sbr.rel .LBB2_2-.Ltmp8, $4  }
0xca: {  	_ =	swait.ge [sflag:s26], $0x4000  }
0xcb: {  	[sflag:s26] =	ssyncset.done $0x0;
	s0 =	sshra.s32 s0, $0x2  }
0xcc: {  	s31 =	sadd.s32 $0x1, s31;
	[sflag:s26] =	ssyncadd.s32 $0xFFFFC000;
	s0 =	sadd.s32 $0x380, s0  }
0xcd: {  	[tilespmem:s16], [sflag:$0x3] =	stream.indirect.gather [hbm4b:s2+s12], $0x80, s0, s12, $0xb8;
	[tilespmem:$0x1A400] =	vst v63  }
.LBB2_15:
0xce: {  	_ =	sfence.sel $0x180000  }
0xcf: {  	[bflag:$0x0] =	sbarrier.arrive $0xFFFF  }
0xd0: {  	_ =	strace $0x90000047  }
0xd1: {  	s0 =	stileid.u32;
	[bflag:$0x2] =	sbarrier.arrive $0xFFFF  }
0xd2: {  	p0 =	sne.s32 s0, $0x0;
	s0 =	rddreg [dreg:$0x3]  }
0xd3: {  	s0 =	sadd.s32 @!p0 $0x100000, s0  }
0xd4: {  	[sflag:s0] =	ssyncadd.tile.s32 @!p0 $0x1;
	_ =	shalt  }
.Lfunc_end2:
_tile_overlayer_lowered:
.L_overlay_start_2:
0xd5: {  	(tag) =	ssettag $0x2  }
0xd6: {  	s0 =	rddreg [dreg:$0x0];
	s2 =	stileid.u32  }
0xd7: {  	s1 =	rddreg [dreg:$0x1];
	p0 =	sne.s32 s2, $0x0  }
0xd8: {  	s3 =	rddreg [dreg:$0x2];
	[bflag:$0x3] =	sbarrier.arrive $0xFFFF;
	s2 =	simm.s32 @!p0 $0x1C0B  }
0xd9: {  	[timem:s3], [sflag:s2] =	dma.local @!p0 [hbm:s0], s1  }
0xda: {  	s0 =	simm.s32 @!p0 $0xB  }
0xdb: {  	_ =	swait.ge @!p0 [sflag:s0], s1  }
0xdc: {  	s1 =	ssub.s32 @!p0 $0x0, s1;
	[sflag:s0] =	ssyncset.done @!p0 $0x0  }
0xdd: {  	[sflag:s0] =	ssyncadd.s32 @!p0 s1  }
0xde: {  	[bflag:$0x3] =	sbarrier.arrive $0xFFFF  }
0xdf: {  	_ =	shalt  }

</sc_bundles>
